<compile_context>
chip_gen: v7x
topology: tpu7x:2x2x1
jax: 0.10.2.dev20260603
libtpu: 0.0.44.dev20260713+nightly
codegen_flags: <defaults>
</compile_context>

<pallas_src>
import functools

import jax
import jax.numpy as jnp
from jax import lax
from jax.experimental import pallas as pl
from jax.experimental.pallas import tpu as pltpu
from jax.experimental.pallas import tpu_sc as plsc

N = 10000
E = 320000
D = 128

NC = 2
NS = 16
NW = NC * NS
NPAD = 10240
ROWS = NPAD // NS
CHUNK = 80
EPT = E // NW
NIT = EPT // CHUNK
assert NIT % 3 == 2
DEGW = 128

_mesh = plsc.VectorSubcoreMesh(core_axis_name="c", subcore_axis_name="s")



@functools.partial(
    pl.kernel,
    mesh=_mesh,
    out_type=jax.ShapeDtypeStruct((NC, NPAD, DEGW), jnp.float32),
    scratch_types=[
        pltpu.VMEM((NIT, CHUNK), jnp.int32),
        pltpu.VMEM((CHUNK, DEGW), jnp.float32),
        pltpu.VMEM_SHARED((NPAD, DEGW), jnp.float32),
        pltpu.SemaphoreType.DMA,
    ],
)
def _deg_kernel(dst_hbm, ones_hbm, zeros_hbm, out_hbm,
                dst_all, ones_v, acc_sh, sem):
    c = lax.axis_index("c")
    s = lax.axis_index("s")
    wid = c * NS + s
    pltpu.sync_copy(dst_hbm.at[wid], dst_all)
    pltpu.sync_copy(ones_hbm, ones_v)
    pltpu.sync_copy(zeros_hbm, acc_sh.at[pl.ds(s * ROWS, ROWS)])
    plsc.subcore_barrier()

    def body(i, carry):
        pltpu.sync_copy(ones_v, acc_sh.at[dst_all.at[i]], add=True)
        return carry

    lax.fori_loop(0, NIT, body, 0)
    plsc.subcore_barrier()
    pltpu.sync_copy(acc_sh.at[pl.ds(s * ROWS, ROWS)],
                    out_hbm.at[c, pl.ds(s * ROWS, ROWS)])


@functools.partial(
    pl.kernel,
    mesh=_mesh,
    out_type=jax.ShapeDtypeStruct((NC, NPAD, D), jnp.float32),
    scratch_types=[
        pltpu.VMEM((EPT,), jnp.int32),
        pltpu.VMEM((CHUNK,), jnp.int32),
        pltpu.VMEM((CHUNK,), jnp.int32),
        pltpu.VMEM((CHUNK,), jnp.int32),
        pltpu.VMEM((CHUNK, D), jnp.float32),
        pltpu.VMEM((CHUNK, D), jnp.float32),
        pltpu.VMEM((CHUNK, D), jnp.float32),
        pltpu.VMEM_SHARED((NPAD, D), jnp.float32),
        pltpu.SemaphoreType.DMA,
        pltpu.SemaphoreType.DMA,
        pltpu.SemaphoreType.DMA,
        pltpu.SemaphoreType.DMA,
        pltpu.SemaphoreType.DMA,
        pltpu.SemaphoreType.DMA,
    ],
)
def _agg_kernel(h_hbm, src_flat_hbm, dst_hbm, zeros_hbm, out_hbm,
                src_all, dst_a, dst_b, dst_c, rows_a, rows_b, rows_c, acc_sh,
                sem_a, sem_b, sem_c, sem_da, sem_db, sem_dc):
    c = lax.axis_index("c")
    s = lax.axis_index("s")
    wid = c * NS + s
    pltpu.sync_copy(src_flat_hbm.at[pl.ds(wid * EPT, EPT)], src_all)
    pltpu.sync_copy(zeros_hbm, acc_sh.at[pl.ds(s * ROWS, ROWS)])
    plsc.subcore_barrier()

    B = ((rows_a, dst_a, sem_a, sem_da),
         (rows_b, dst_b, sem_b, sem_db),
         (rows_c, dst_c, sem_c, sem_dc))

    def gather(i, b):
        rows, dbuf, sg, sd = B[b]
        pltpu.async_copy(h_hbm.at[src_all.at[pl.ds(i * CHUNK, CHUNK)]],
                         rows, sg)
        pltpu.async_copy(dst_hbm.at[wid, i], dbuf, sd)

    def phase(i_next, b):
        rows, dbuf, sg, sd = B[b]
        pltpu.make_async_copy(h_hbm.at[src_all.at[pl.ds(0, CHUNK)]],
                              rows, sg).wait()
        pltpu.make_async_copy(dst_hbm.at[wid, 0], dbuf, sd).wait()
        pltpu.sync_copy(rows, acc_sh.at[dbuf], add=True)

        @pl.when(i_next < NIT)
        def _():
            gather(i_next, b)

    gather(0, 0)
    gather(1, 1)
    gather(2, 2)

    def body(k, carry):
        i0 = 3 * k
        phase(i0 + 3, 0)
        phase(i0 + 4, 1)
        phase(i0 + 5, 2)
        return carry

    lax.fori_loop(0, NIT // 3, body, 0)
    phase(NIT, 0)
    phase(NIT, 1)
    plsc.subcore_barrier()
    pltpu.sync_copy(acc_sh.at[pl.ds(s * ROWS, ROWS)],
                    out_hbm.at[c, pl.ds(s * ROWS, ROWS)])



def _lin_body(x_ref, w_ref, p_ref, o_ref, dinv_ref):
    deg = p_ref[0, :N, 0:1] + p_ref[1, :N, 0:1] + 1.0
    dinv = lax.rsqrt(deg)
    dinv_ref[...] = dinv
    o_ref[...] = jnp.dot(x_ref[...], w_ref[...],
                         preferred_element_type=jnp.float32) * dinv


def _mid_body(p_ref, h_ref, dinv_ref, b_ref, w_ref, o_ref):
    agg = p_ref[0, :N, :] + p_ref[1, :N, :]
    t = dinv_ref[...] * (agg + h_ref[...]) + b_ref[...]
    t = jnp.maximum(t, 0.0)
    o_ref[...] = jnp.dot(t, w_ref[...],
                         preferred_element_type=jnp.float32) * dinv_ref[...]


def _fin_body(p_ref, h_ref, dinv_ref, b_ref, o_ref):
    agg = p_ref[0, :N, :] + p_ref[1, :N, :]
    o_ref[...] = dinv_ref[...] * (agg + h_ref[...]) + b_ref[...]


_lin_call = pl.pallas_call(
    _lin_body, out_shape=(jax.ShapeDtypeStruct((N, D), jnp.float32),
                          jax.ShapeDtypeStruct((N, 1), jnp.float32)))
_mid_call = pl.pallas_call(
    _mid_body, out_shape=jax.ShapeDtypeStruct((N, D), jnp.float32))
_fin_call = pl.pallas_call(
    _fin_body, out_shape=jax.ShapeDtypeStruct((N, D), jnp.float32))



def kernel(x, edge_index, cache_name, W1, b1, W2, b2):
    src = edge_index[0].astype(jnp.int32)
    dst = edge_index[1].astype(jnp.int32).reshape(NW, NIT, CHUNK)
    ones_deg = jnp.ones((CHUNK, DEGW), jnp.float32)
    zeros_deg = jnp.zeros((ROWS, DEGW), jnp.float32)
    zeros_row = jnp.zeros((ROWS, D), jnp.float32)

    pdeg = _deg_kernel(dst, ones_deg, zeros_deg)
    h1, dinv = _lin_call(x, W1, pdeg)
    agg1 = _agg_kernel(h1, src, dst, zeros_row)
    h2 = _mid_call(agg1, h1, dinv, b1.reshape(1, D), W2)
    agg2 = _agg_kernel(h2, src, dst, zeros_row)
    out = _fin_call(agg2, h2, dinv, b2.reshape(1, D))
    return out

# --- scband reference (transcript-rebuilt; emitter-appended) ---
"""Pipeline reference for scband-gnn-41927470743621 (READ-ONLY COPY).

The authoritative reference and input builder live on the scoring server;
editing this copy changes nothing except your own understanding.
"""

import jax, jax.numpy as jnp
import numpy as np

N = 10000
E = 320000
D_IN = 128
D_HID = 128
D_OUT = 128


def setup_inputs(seed: int = 0) -> dict:
    key = jax.random.key(seed)
    ks = jax.random.split(key, 6)
    x = jax.random.normal(ks[0], (N, D_IN), dtype=jnp.float32)
    edge_index = jax.random.randint(ks[1], (2, E), 0, N)
    W1 = jax.random.normal(ks[2], (D_IN, D_HID), dtype=jnp.float32) * (1.0 / np.sqrt(D_IN))
    b1 = jnp.zeros((D_HID,), dtype=jnp.float32)
    W2 = jax.random.normal(ks[3], (D_HID, D_OUT), dtype=jnp.float32) * (1.0 / np.sqrt(D_HID))
    b2 = jnp.zeros((D_OUT,), dtype=jnp.float32)
    return {"x": x, "edge_index": edge_index, "cache_name": 0, "W1": W1, "b1": b1, "W2": W2, "b2": b2}


def _gcn_layer(x, W, b, src, dst):
    # GCNConv: linear transform, add self-loops, symmetric normalization, scatter-add aggregation
    h = x @ W
    loop = jnp.arange(N, dtype=src.dtype)
    s = jnp.concatenate([src, loop])
    d = jnp.concatenate([dst, loop])
    deg = jax.ops.segment_sum(jnp.ones((s.shape[0],), dtype=h.dtype), d, num_segments=N)
    dinv = jnp.where(deg > 0, jax.lax.rsqrt(jnp.maximum(deg, 1e-12)), 0.0)
    norm = dinv[s] * dinv[d]
    msg = h[s] * norm[:, None]
    out = jax.ops.segment_sum(msg, d, num_segments=N)
    return out + b


def reference(x, edge_index, cache_name, W1, b1, W2, b2):
    src = edge_index[0]
    dst = edge_index[1]
    h = _gcn_layer(x, W1, b1, src, dst)
    h = jax.nn.relu(h)
    # dropout is identity in eval mode
    out = _gcn_layer(h, W2, b2, src, dst)
    return out

if __name__ == "__main__":
    import jax
    _d = setup_inputs()
    print(jax.jit(kernel)(*tuple(_d.values())))

</pallas_src>

<mosaic_0001>
#map = affine_map<(d0, d1) -> (0, 0, 0)>
#map1 = affine_map<(d0, d1) -> (0, 0)>
module attributes {stable_mosaic.version = 14 : i64} {
  func.func @_deg_kernel(%arg0: i32, %arg1: i32, %arg2: memref<32x125x80xi32, #tpu.memory_space<hbm>>, %arg3: memref<80x128xf32, #tpu.memory_space<hbm>>, %arg4: memref<640x128xf32, #tpu.memory_space<hbm>>, %arg5: memref<2x10240x128xf32, #tpu.memory_space<hbm>>, %arg6: memref<125x80xi32, #tpu.memory_space<vmem>>, %arg7: memref<80x128xf32, #tpu.memory_space<vmem>>, %arg8: memref<10240x128xf32, #tpu.memory_space<vmem_shared>>, %arg9: memref<!tpu.dma_semaphore, #tpu.memory_space<semaphore_mem>>) attributes {dimension_semantics = [#tpu.dimension_semantics<core_parallel>, #tpu.dimension_semantics<subcore_parallel>], iteration_bounds = array<i64: 2, 16>, scalar_prefetch = 0 : i64, scratch_operands = 4 : i64, tpu.core_type = #tpu.core_type<sc_vector_subcore>, window_params = [{transform_indices = #map}, {transform_indices = #map1}, {transform_indices = #map1}, {transform_indices = #map}]} {
    %mul3A = arith.constant 16 : i32
    %mul3A_0 = arith.muli %arg0, %mul3A : i32
    %add3A = arith.addi %mul3A_0, %arg1 : i32
    "tpu.region"() ({
      %run_scoped3A = tpu.sem_alloc : memref<!tpu.dma_semaphore, #tpu.memory_space<semaphore_mem>>
      %dma_start3A = arith.constant 0 : i32
      %dma_start3A_13 = arith.constant 0 : i32
      %dma_start3A_14 = tpu.memref_slice %arg2[%add3A, %dma_start3A, %dma_start3A_13] : memref<32x125x80xi32, #tpu.memory_space<hbm>> -> memref<1x125x80xi32, #tpu.memory_space<hbm>>
      %dma_start3A_15 = tpu.memref_squeeze %dma_start3A_14 : memref<1x125x80xi32, #tpu.memory_space<hbm>> -> memref<125x80xi32, #tpu.memory_space<hbm>>
      %dma_start3A_16 = arith.constant 0 : i32
      %dma_start3A_17 = arith.constant 0 : i32
      %dma_start3A_18 = tpu.memref_slice %arg2[%add3A, %dma_start3A_16, %dma_start3A_17] : memref<32x125x80xi32, #tpu.memory_space<hbm>> -> memref<1x125x80xi32, #tpu.memory_space<hbm>>
      %dma_start3A_19 = tpu.memref_squeeze %dma_start3A_18 : memref<1x125x80xi32, #tpu.memory_space<hbm>> -> memref<125x80xi32, #tpu.memory_space<hbm>>
      tpu.enqueue_dma source(%dma_start3A_19 : memref<125x80xi32, #tpu.memory_space<hbm>>) target(%arg6 : memref<125x80xi32, #tpu.memory_space<vmem>>) target_semaphore(%run_scoped3A : memref<!tpu.dma_semaphore, #tpu.memory_space<semaphore_mem>>)
      %dma_wait3A = arith.constant 0 : i32
      %dma_wait3A_20 = arith.constant 0 : i32
      %dma_wait3A_21 = tpu.memref_slice %arg2[%add3A, %dma_wait3A, %dma_wait3A_20] : memref<32x125x80xi32, #tpu.memory_space<hbm>> -> memref<1x125x80xi32, #tpu.memory_space<hbm>>
      %dma_wait3A_22 = tpu.memref_squeeze %dma_wait3A_21 : memref<1x125x80xi32, #tpu.memory_space<hbm>> -> memref<125x80xi32, #tpu.memory_space<hbm>>
      %dma_wait3A_23 = arith.constant 0 : i32
      %dma_wait3A_24 = arith.constant 0 : i32
      %dma_wait3A_25 = tpu.memref_slice %arg2[%add3A, %dma_wait3A_23, %dma_wait3A_24] : memref<32x125x80xi32, #tpu.memory_space<hbm>> -> memref<1x125x80xi32, #tpu.memory_space<hbm>>
      %dma_wait3A_26 = tpu.memref_squeeze %dma_wait3A_25 : memref<1x125x80xi32, #tpu.memory_space<hbm>> -> memref<125x80xi32, #tpu.memory_space<hbm>>
      tpu.wait_dma2 semaphore(%run_scoped3A : memref<!tpu.dma_semaphore, #tpu.memory_space<semaphore_mem>>) src(%dma_wait3A_26 : memref<125x80xi32, #tpu.memory_space<hbm>>) dst(%arg6 : memref<125x80xi32, #tpu.memory_space<vmem>>)
      tpu.yield
    }) : () -> ()
    "tpu.region"() ({
      %run_scoped3A = tpu.sem_alloc : memref<!tpu.dma_semaphore, #tpu.memory_space<semaphore_mem>>
      tpu.enqueue_dma source(%arg3 : memref<80x128xf32, #tpu.memory_space<hbm>>) target(%arg7 : memref<80x128xf32, #tpu.memory_space<vmem>>) target_semaphore(%run_scoped3A : memref<!tpu.dma_semaphore, #tpu.memory_space<semaphore_mem>>)
      tpu.wait_dma2 semaphore(%run_scoped3A : memref<!tpu.dma_semaphore, #tpu.memory_space<semaphore_mem>>) src(%arg3 : memref<80x128xf32, #tpu.memory_space<hbm>>) dst(%arg7 : memref<80x128xf32, #tpu.memory_space<vmem>>)
      tpu.yield
    }) : () -> ()
    %mul3A_1 = arith.constant 640 : i32
    %mul3A_2 = arith.muli %arg1, %mul3A_1 : i32
    "tpu.region"() ({
      %run_scoped3A = tpu.sem_alloc : memref<!tpu.dma_semaphore, #tpu.memory_space<semaphore_mem>>
      %dma_start3A = arith.constant 0 : i32
      %dma_start3A_13 = tpu.memref_slice %arg8[%mul3A_2, %dma_start3A] : memref<10240x128xf32, #tpu.memory_space<vmem_shared>> -> memref<640x128xf32, #tpu.memory_space<vmem_shared>>
      tpu.enqueue_dma source(%arg4 : memref<640x128xf32, #tpu.memory_space<hbm>>) target(%dma_start3A_13 : memref<640x128xf32, #tpu.memory_space<vmem_shared>>) target_semaphore(%run_scoped3A : memref<!tpu.dma_semaphore, #tpu.memory_space<semaphore_mem>>)
      %dma_wait3A = arith.constant 0 : i32
      %dma_wait3A_14 = tpu.memref_slice %arg8[%mul3A_2, %dma_wait3A] : memref<10240x128xf32, #tpu.memory_space<vmem_shared>> -> memref<640x128xf32, #tpu.memory_space<vmem_shared>>
      tpu.wait_dma2 semaphore(%run_scoped3A : memref<!tpu.dma_semaphore, #tpu.memory_space<semaphore_mem>>) src(%arg4 : memref<640x128xf32, #tpu.memory_space<hbm>>) dst(%dma_wait3A_14 : memref<640x128xf32, #tpu.memory_space<vmem_shared>>)
      tpu.yield
    }) : () -> ()
    %barrier3A = arith.constant 0 : index
    tpu.barrier barrier_id(%barrier3A)
    %scan3A = arith.constant 0 : i32
    %scan3A_3 = arith.constant 0 : i32
    %scan3A_4 = arith.constant 125 : i32
    %scan3A_5 = arith.addi %scan3A_3, %scan3A_4 : i32
    %scan3A_6 = arith.constant 1 : i32
    scf.for %scan3A_13 = %scan3A_3 to %scan3A_5 step %scan3A_6  : i32 {
      "tpu.region"() ({
        %run_scoped3A = tpu.sem_alloc : memref<!tpu.dma_semaphore, #tpu.memory_space<semaphore_mem>>
        %dma_start3A = arith.constant 0 : i32
        %dma_start3A_14 = tpu.memref_slice %arg6[%scan3A_13, %dma_start3A] : memref<125x80xi32, #tpu.memory_space<vmem>> -> memref<1x80xi32, #tpu.memory_space<vmem>>
        %dma_start3A_15 = tpu.memref_squeeze %dma_start3A_14 : memref<1x80xi32, #tpu.memory_space<vmem>> -> memref<80xi32, #tpu.memory_space<vmem>>
        %dma_start3A_16 = arith.constant 0 : i32
        %dma_start3A_17 = arith.constant 0 : i32
        %dma_start3A_18 = tpu.memref_slice %arg8[%dma_start3A_16, %dma_start3A_17] : memref<10240x128xf32, #tpu.memory_space<vmem_shared>> -> memref<10240x128xf32, #tpu.memory_space<vmem_shared>>
        tpu.enqueue_indirect_dma source(%arg7 : memref<80x128xf32, #tpu.memory_space<vmem>>) target(%dma_start3A_18 : memref<10240x128xf32, #tpu.memory_space<vmem_shared>>) offsets(%dma_start3A_15 : memref<80xi32, #tpu.memory_space<vmem>>) semaphore(%run_scoped3A : memref<!tpu.dma_semaphore, #tpu.memory_space<semaphore_mem>>) {add = true}
        %dma_wait3A = arith.constant 0 : i32
        %dma_wait3A_19 = tpu.memref_slice %arg6[%scan3A_13, %dma_wait3A] : memref<125x80xi32, #tpu.memory_space<vmem>> -> memref<1x80xi32, #tpu.memory_space<vmem>>
        %dma_wait3A_20 = tpu.memref_squeeze %dma_wait3A_19 : memref<1x80xi32, #tpu.memory_space<vmem>> -> memref<80xi32, #tpu.memory_space<vmem>>
        %dma_wait3A_21 = arith.constant 0 : i32
        %dma_wait3A_22 = arith.constant 0 : i32
        %dma_wait3A_23 = tpu.memref_slice %arg8[%dma_wait3A_21, %dma_wait3A_22] : memref<10240x128xf32, #tpu.memory_space<vmem_shared>> -> memref<10240x128xf32, #tpu.memory_space<vmem_shared>>
        tpu.wait_indirect_dma semaphore(%run_scoped3A : memref<!tpu.dma_semaphore, #tpu.memory_space<semaphore_mem>>) src(%arg7 : memref<80x128xf32, #tpu.memory_space<vmem>>) dst(%dma_wait3A_23 : memref<10240x128xf32, #tpu.memory_space<vmem_shared>>)
        tpu.yield
      }) : () -> ()
    }
    %scan3A_7 = arith.constant 125 : i32
    %barrier3A_8 = arith.constant 0 : index
    tpu.barrier barrier_id(%barrier3A_8)
    %mul3A_9 = arith.constant 640 : i32
    %mul3A_10 = arith.muli %arg1, %mul3A_9 : i32
    %mul3A_11 = arith.constant 640 : i32
    %mul3A_12 = arith.muli %arg1, %mul3A_11 : i32
    "tpu.region"() ({
      %run_scoped3A = tpu.sem_alloc : memref<!tpu.dma_semaphore, #tpu.memory_space<semaphore_mem>>
      %dma_start3A = arith.constant 0 : i32
      %dma_start3A_13 = tpu.memref_slice %arg5[%arg0, %mul3A_12, %dma_start3A] : memref<2x10240x128xf32, #tpu.memory_space<hbm>> -> memref<1x640x128xf32, #tpu.memory_space<hbm>>
      %dma_start3A_14 = tpu.memref_squeeze %dma_start3A_13 : memref<1x640x128xf32, #tpu.memory_space<hbm>> -> memref<640x128xf32, #tpu.memory_space<hbm>>
      %dma_start3A_15 = arith.constant 0 : i32
      %dma_start3A_16 = tpu.memref_slice %arg8[%mul3A_10, %dma_start3A_15] : memref<10240x128xf32, #tpu.memory_space<vmem_shared>> -> memref<640x128xf32, #tpu.memory_space<vmem_shared>>
      tpu.enqueue_dma source(%dma_start3A_16 : memref<640x128xf32, #tpu.memory_space<vmem_shared>>) target(%dma_start3A_14 : memref<640x128xf32, #tpu.memory_space<hbm>>) target_semaphore(%run_scoped3A : memref<!tpu.dma_semaphore, #tpu.memory_space<semaphore_mem>>)
      %dma_wait3A = arith.constant 0 : i32
      %dma_wait3A_17 = tpu.memref_slice %arg5[%arg0, %mul3A_12, %dma_wait3A] : memref<2x10240x128xf32, #tpu.memory_space<hbm>> -> memref<1x640x128xf32, #tpu.memory_space<hbm>>
      %dma_wait3A_18 = tpu.memref_squeeze %dma_wait3A_17 : memref<1x640x128xf32, #tpu.memory_space<hbm>> -> memref<640x128xf32, #tpu.memory_space<hbm>>
      %dma_wait3A_19 = arith.constant 0 : i32
      %dma_wait3A_20 = tpu.memref_slice %arg8[%mul3A_10, %dma_wait3A_19] : memref<10240x128xf32, #tpu.memory_space<vmem_shared>> -> memref<640x128xf32, #tpu.memory_space<vmem_shared>>
      tpu.wait_dma2 semaphore(%run_scoped3A : memref<!tpu.dma_semaphore, #tpu.memory_space<semaphore_mem>>) src(%dma_wait3A_20 : memref<640x128xf32, #tpu.memory_space<vmem_shared>>) dst(%dma_wait3A_18 : memref<640x128xf32, #tpu.memory_space<hbm>>)
      tpu.yield
    }) : () -> ()
    return
  }
}

#map = affine_map<(d0, d1) -> (0, 0)>
#map1 = affine_map<(d0, d1) -> (0)>
#map2 = affine_map<(d0, d1) -> (0, 0, 0)>
module attributes {stable_mosaic.version = 14 : i64} {
  func.func @_agg_kernel(%arg0: i32, %arg1: i32, %arg2: memref<10000x128xf32, #tpu.memory_space<hbm>>, %arg3: memref<320000xi32, #tpu.memory_space<hbm>>, %arg4: memref<32x125x80xi32, #tpu.memory_space<hbm>>, %arg5: memref<640x128xf32, #tpu.memory_space<hbm>>, %arg6: memref<2x10240x128xf32, #tpu.memory_space<hbm>>, %arg7: memref<10000xi32, #tpu.memory_space<vmem>>, %arg8: memref<80xi32, #tpu.memory_space<vmem>>, %arg9: memref<80xi32, #tpu.memory_space<vmem>>, %arg10: memref<80xi32, #tpu.memory_space<vmem>>, %arg11: memref<80x128xf32, #tpu.memory_space<vmem>>, %arg12: memref<80x128xf32, #tpu.memory_space<vmem>>, %arg13: memref<80x128xf32, #tpu.memory_space<vmem>>, %arg14: memref<10240x128xf32, #tpu.memory_space<vmem_shared>>, %arg15: memref<!tpu.dma_semaphore, #tpu.memory_space<semaphore_mem>>, %arg16: memref<!tpu.dma_semaphore, #tpu.memory_space<semaphore_mem>>, %arg17: memref<!tpu.dma_semaphore, #tpu.memory_space<semaphore_mem>>, %arg18: memref<!tpu.dma_semaphore, #tpu.memory_space<semaphore_mem>>, %arg19: memref<!tpu.dma_semaphore, #tpu.memory_space<semaphore_mem>>, %arg20: memref<!tpu.dma_semaphore, #tpu.memory_space<semaphore_mem>>) attributes {dimension_semantics = [#tpu.dimension_semantics<core_parallel>, #tpu.dimension_semantics<subcore_parallel>], iteration_bounds = array<i64: 2, 16>, scalar_prefetch = 0 : i64, scratch_operands = 14 : i64, tpu.core_type = #tpu.core_type<sc_vector_subcore>, window_params = [{transform_indices = #map}, {transform_indices = #map1}, {transform_indices = #map2}, {transform_indices = #map}, {transform_indices = #map2}]} {
    %mul3A = arith.constant 16 : i32
    %mul3A_0 = arith.muli %arg0, %mul3A : i32
    %add3A = arith.addi %mul3A_0, %arg1 : i32
    %mul3A_1 = arith.constant 10000 : i32
    %mul3A_2 = arith.muli %add3A, %mul3A_1 : i32
    "tpu.region"() ({
      %run_scoped3A = tpu.sem_alloc : memref<!tpu.dma_semaphore, #tpu.memory_space<semaphore_mem>>
      %dma_start3A_73 = tpu.memref_slice %arg3[%mul3A_2] : memref<320000xi32, #tpu.memory_space<hbm>> -> memref<10000xi32, #tpu.memory_space<hbm>>
      %dma_start3A_74 = tpu.memref_slice %arg3[%mul3A_2] : memref<320000xi32, #tpu.memory_space<hbm>> -> memref<10000xi32, #tpu.memory_space<hbm>>
      tpu.enqueue_dma source(%dma_start3A_74 : memref<10000xi32, #tpu.memory_space<hbm>>) target(%arg7 : memref<10000xi32, #tpu.memory_space<vmem>>) target_semaphore(%run_scoped3A : memref<!tpu.dma_semaphore, #tpu.memory_space<semaphore_mem>>)
      %dma_wait3A_75 = tpu.memref_slice %arg3[%mul3A_2] : memref<320000xi32, #tpu.memory_space<hbm>> -> memref<10000xi32, #tpu.memory_space<hbm>>
      %dma_wait3A_76 = tpu.memref_slice %arg3[%mul3A_2] : memref<320000xi32, #tpu.memory_space<hbm>> -> memref<10000xi32, #tpu.memory_space<hbm>>
      tpu.wait_dma2 semaphore(%run_scoped3A : memref<!tpu.dma_semaphore, #tpu.memory_space<semaphore_mem>>) src(%dma_wait3A_76 : memref<10000xi32, #tpu.memory_space<hbm>>) dst(%arg7 : memref<10000xi32, #tpu.memory_space<vmem>>)
      tpu.yield
    }) : () -> ()
    %mul3A_3 = arith.constant 640 : i32
    %mul3A_4 = arith.muli %arg1, %mul3A_3 : i32
    "tpu.region"() ({
      %run_scoped3A = tpu.sem_alloc : memref<!tpu.dma_semaphore, #tpu.memory_space<semaphore_mem>>
      %dma_start3A_73 = arith.constant 0 : i32
      %dma_start3A_74 = tpu.memref_slice %arg14[%mul3A_4, %dma_start3A_73] : memref<10240x128xf32, #tpu.memory_space<vmem_shared>> -> memref<640x128xf32, #tpu.memory_space<vmem_shared>>
      tpu.enqueue_dma source(%arg5 : memref<640x128xf32, #tpu.memory_space<hbm>>) target(%dma_start3A_74 : memref<640x128xf32, #tpu.memory_space<vmem_shared>>) target_semaphore(%run_scoped3A : memref<!tpu.dma_semaphore, #tpu.memory_space<semaphore_mem>>)
      %dma_wait3A_75 = arith.constant 0 : i32
      %dma_wait3A_76 = tpu.memref_slice %arg14[%mul3A_4, %dma_wait3A_75] : memref<10240x128xf32, #tpu.memory_space<vmem_shared>> -> memref<640x128xf32, #tpu.memory_space<vmem_shared>>
      tpu.wait_dma2 semaphore(%run_scoped3A : memref<!tpu.dma_semaphore, #tpu.memory_space<semaphore_mem>>) src(%arg5 : memref<640x128xf32, #tpu.memory_space<hbm>>) dst(%dma_wait3A_76 : memref<640x128xf32, #tpu.memory_space<vmem_shared>>)
      tpu.yield
    }) : () -> ()
    %barrier3A = arith.constant 0 : index
    tpu.barrier barrier_id(%barrier3A)
    %dma_start3A = arith.constant 0 : i32
    %dma_start3A_5 = tpu.memref_slice %arg7[%dma_start3A] : memref<10000xi32, #tpu.memory_space<vmem>> -> memref<80xi32, #tpu.memory_space<vmem>>
    %dma_start3A_6 = arith.constant 0 : i32
    %dma_start3A_7 = arith.constant 0 : i32
    %dma_start3A_8 = tpu.memref_slice %arg2[%dma_start3A_6, %dma_start3A_7] : memref<10000x128xf32, #tpu.memory_space<hbm>> -> memref<10000x128xf32, #tpu.memory_space<hbm>>
    tpu.enqueue_indirect_dma source(%dma_start3A_8 : memref<10000x128xf32, #tpu.memory_space<hbm>>) target(%arg11 : memref<80x128xf32, #tpu.memory_space<vmem>>) offsets(%dma_start3A_5 : memref<80xi32, #tpu.memory_space<vmem>>) semaphore(%arg15 : memref<!tpu.dma_semaphore, #tpu.memory_space<semaphore_mem>>)
    %dma_start3A_9 = arith.constant 0 : i32
    %dma_start3A_10 = arith.constant 0 : i32
    %dma_start3A_11 = tpu.memref_slice %arg4[%add3A, %dma_start3A_9, %dma_start3A_10] : memref<32x125x80xi32, #tpu.memory_space<hbm>> -> memref<1x1x80xi32, #tpu.memory_space<hbm>>
    %dma_start3A_12 = tpu.memref_squeeze %dma_start3A_11 : memref<1x1x80xi32, #tpu.memory_space<hbm>> -> memref<80xi32, #tpu.memory_space<hbm>>
    %dma_start3A_13 = arith.constant 0 : i32
    %dma_start3A_14 = tpu.memref_slice %arg4[%add3A, %dma_start3A_9, %dma_start3A_13] : memref<32x125x80xi32, #tpu.memory_space<hbm>> -> memref<1x1x80xi32, #tpu.memory_space<hbm>>
    %dma_start3A_15 = tpu.memref_squeeze %dma_start3A_14 : memref<1x1x80xi32, #tpu.memory_space<hbm>> -> memref<80xi32, #tpu.memory_space<hbm>>
    tpu.enqueue_dma source(%dma_start3A_15 : memref<80xi32, #tpu.memory_space<hbm>>) target(%arg8 : memref<80xi32, #tpu.memory_space<vmem>>) target_semaphore(%arg18 : memref<!tpu.dma_semaphore, #tpu.memory_space<semaphore_mem>>)
    %dma_start3A_16 = arith.constant 80 : i32
    %dma_start3A_17 = tpu.memref_slice %arg7[%dma_start3A_16] : memref<10000xi32, #tpu.memory_space<vmem>> -> memref<80xi32, #tpu.memory_space<vmem>>
    %dma_start3A_18 = arith.constant 0 : i32
    %dma_start3A_19 = arith.constant 0 : i32
    %dma_start3A_20 = tpu.memref_slice %arg2[%dma_start3A_18, %dma_start3A_19] : memref<10000x128xf32, #tpu.memory_space<hbm>> -> memref<10000x128xf32, #tpu.memory_space<hbm>>
    tpu.enqueue_indirect_dma source(%dma_start3A_20 : memref<10000x128xf32, #tpu.memory_space<hbm>>) target(%arg12 : memref<80x128xf32, #tpu.memory_space<vmem>>) offsets(%dma_start3A_17 : memref<80xi32, #tpu.memory_space<vmem>>) semaphore(%arg16 : memref<!tpu.dma_semaphore, #tpu.memory_space<semaphore_mem>>)
    %dma_start3A_21 = arith.constant 1 : i32
    %dma_start3A_22 = arith.constant 0 : i32
    %dma_start3A_23 = tpu.memref_slice %arg4[%add3A, %dma_start3A_21, %dma_start3A_22] : memref<32x125x80xi32, #tpu.memory_space<hbm>> -> memref<1x1x80xi32, #tpu.memory_space<hbm>>
    %dma_start3A_24 = tpu.memref_squeeze %dma_start3A_23 : memref<1x1x80xi32, #tpu.memory_space<hbm>> -> memref<80xi32, #tpu.memory_space<hbm>>
    %dma_start3A_25 = arith.constant 0 : i32
    %dma_start3A_26 = tpu.memref_slice %arg4[%add3A, %dma_start3A_21, %dma_start3A_25] : memref<32x125x80xi32, #tpu.memory_space<hbm>> -> memref<1x1x80xi32, #tpu.memory_space<hbm>>
    %dma_start3A_27 = tpu.memref_squeeze %dma_start3A_26 : memref<1x1x80xi32, #tpu.memory_space<hbm>> -> memref<80xi32, #tpu.memory_space<hbm>>
    tpu.enqueue_dma source(%dma_start3A_27 : memref<80xi32, #tpu.memory_space<hbm>>) target(%arg9 : memref<80xi32, #tpu.memory_space<vmem>>) target_semaphore(%arg19 : memref<!tpu.dma_semaphore, #tpu.memory_space<semaphore_mem>>)
    %dma_start3A_28 = arith.constant 160 : i32
    %dma_start3A_29 = tpu.memref_slice %arg7[%dma_start3A_28] : memref<10000xi32, #tpu.memory_space<vmem>> -> memref<80xi32, #tpu.memory_space<vmem>>
    %dma_start3A_30 = arith.constant 0 : i32
    %dma_start3A_31 = arith.constant 0 : i32
    %dma_start3A_32 = tpu.memref_slice %arg2[%dma_start3A_30, %dma_start3A_31] : memref<10000x128xf32, #tpu.memory_space<hbm>> -> memref<10000x128xf32, #tpu.memory_space<hbm>>
    tpu.enqueue_indirect_dma source(%dma_start3A_32 : memref<10000x128xf32, #tpu.memory_space<hbm>>) target(%arg13 : memref<80x128xf32, #tpu.memory_space<vmem>>) offsets(%dma_start3A_29 : memref<80xi32, #tpu.memory_space<vmem>>) semaphore(%arg17 : memref<!tpu.dma_semaphore, #tpu.memory_space<semaphore_mem>>)
    %dma_start3A_33 = arith.constant 2 : i32
    %dma_start3A_34 = arith.constant 0 : i32
    %dma_start3A_35 = tpu.memref_slice %arg4[%add3A, %dma_start3A_33, %dma_start3A_34] : memref<32x125x80xi32, #tpu.memory_space<hbm>> -> memref<1x1x80xi32, #tpu.memory_space<hbm>>
    %dma_start3A_36 = tpu.memref_squeeze %dma_start3A_35 : memref<1x1x80xi32, #tpu.memory_space<hbm>> -> memref<80xi32, #tpu.memory_space<hbm>>
    %dma_start3A_37 = arith.constant 0 : i32
    %dma_start3A_38 = tpu.memref_slice %arg4[%add3A, %dma_start3A_33, %dma_start3A_37] : memref<32x125x80xi32, #tpu.memory_space<hbm>> -> memref<1x1x80xi32, #tpu.memory_space<hbm>>
    %dma_start3A_39 = tpu.memref_squeeze %dma_start3A_38 : memref<1x1x80xi32, #tpu.memory_space<hbm>> -> memref<80xi32, #tpu.memory_space<hbm>>
    tpu.enqueue_dma source(%dma_start3A_39 : memref<80xi32, #tpu.memory_space<hbm>>) target(%arg10 : memref<80xi32, #tpu.memory_space<vmem>>) target_semaphore(%arg20 : memref<!tpu.dma_semaphore, #tpu.memory_space<semaphore_mem>>)
    %scan3A = arith.constant 0 : i32
    %scan3A_40 = arith.constant 0 : i32
    %scan3A_41 = arith.constant 41 : i32
    %scan3A_42 = arith.addi %scan3A_40, %scan3A_41 : i32
    %scan3A_43 = arith.constant 1 : i32
    scf.for %scan3A_73 = %scan3A_40 to %scan3A_42 step %scan3A_43  : i32 {
      %mul3A_74 = arith.constant 3 : i32
      %mul3A_75 = arith.muli %mul3A_74, %scan3A_73 : i32
      %add3A_76 = arith.constant 3 : i32
      %add3A_77 = arith.addi %mul3A_75, %add3A_76 : i32
      %dma_wait3A_78 = arith.constant 0 : i32
      %dma_wait3A_79 = tpu.memref_slice %arg7[%dma_wait3A_78] : memref<10000xi32, #tpu.memory_space<vmem>> -> memref<80xi32, #tpu.memory_space<vmem>>
      %dma_wait3A_80 = arith.constant 0 : i32
      %dma_wait3A_81 = arith.constant 0 : i32
      %dma_wait3A_82 = tpu.memref_slice %arg2[%dma_wait3A_80, %dma_wait3A_81] : memref<10000x128xf32, #tpu.memory_space<hbm>> -> memref<10000x128xf32, #tpu.memory_space<hbm>>
      tpu.wait_indirect_dma semaphore(%arg15 : memref<!tpu.dma_semaphore, #tpu.memory_space<semaphore_mem>>) src(%dma_wait3A_82 : memref<10000x128xf32, #tpu.memory_space<hbm>>) dst(%arg11 : memref<80x128xf32, #tpu.memory_space<vmem>>)
      %dma_wait3A_83 = arith.constant 0 : i32
      %dma_wait3A_84 = arith.constant 0 : i32
      %dma_wait3A_85 = tpu.memref_slice %arg4[%add3A, %dma_wait3A_83, %dma_wait3A_84] : memref<32x125x80xi32, #tpu.memory_space<hbm>> -> memref<1x1x80xi32, #tpu.memory_space<hbm>>
      %dma_wait3A_86 = tpu.memref_squeeze %dma_wait3A_85 : memref<1x1x80xi32, #tpu.memory_space<hbm>> -> memref<80xi32, #tpu.memory_space<hbm>>
      %dma_wait3A_87 = arith.constant 0 : i32
      %dma_wait3A_88 = tpu.memref_slice %arg4[%add3A, %dma_wait3A_83, %dma_wait3A_87] : memref<32x125x80xi32, #tpu.memory_space<hbm>> -> memref<1x1x80xi32, #tpu.memory_space<hbm>>
      %dma_wait3A_89 = tpu.memref_squeeze %dma_wait3A_88 : memref<1x1x80xi32, #tpu.memory_space<hbm>> -> memref<80xi32, #tpu.memory_space<hbm>>
      tpu.wait_dma2 semaphore(%arg18 : memref<!tpu.dma_semaphore, #tpu.memory_space<semaphore_mem>>) src(%dma_wait3A_89 : memref<80xi32, #tpu.memory_space<hbm>>) dst(%arg8 : memref<80xi32, #tpu.memory_space<vmem>>)
      "tpu.region"() ({
        %run_scoped3A = tpu.sem_alloc : memref<!tpu.dma_semaphore, #tpu.memory_space<semaphore_mem>>
        %dma_start3A_130 = arith.constant 0 : i32
        %dma_start3A_131 = arith.constant 0 : i32
        %dma_start3A_132 = tpu.memref_slice %arg14[%dma_start3A_130, %dma_start3A_131] : memref<10240x128xf32, #tpu.memory_space<vmem_shared>> -> memref<10240x128xf32, #tpu.memory_space<vmem_shared>>
        tpu.enqueue_indirect_dma source(%arg11 : memref<80x128xf32, #tpu.memory_space<vmem>>) target(%dma_start3A_132 : memref<10240x128xf32, #tpu.memory_space<vmem_shared>>) offsets(%arg8 : memref<80xi32, #tpu.memory_space<vmem>>) semaphore(%run_scoped3A : memref<!tpu.dma_semaphore, #tpu.memory_space<semaphore_mem>>) {add = true}
        %dma_wait3A_133 = arith.constant 0 : i32
        %dma_wait3A_134 = arith.constant 0 : i32
        %dma_wait3A_135 = tpu.memref_slice %arg14[%dma_wait3A_133, %dma_wait3A_134] : memref<10240x128xf32, #tpu.memory_space<vmem_shared>> -> memref<10240x128xf32, #tpu.memory_space<vmem_shared>>
        tpu.wait_indirect_dma semaphore(%run_scoped3A : memref<!tpu.dma_semaphore, #tpu.memory_space<semaphore_mem>>) src(%arg11 : memref<80x128xf32, #tpu.memory_space<vmem>>) dst(%dma_wait3A_135 : memref<10240x128xf32, #tpu.memory_space<vmem_shared>>)
        tpu.yield
      }) : () -> ()
      %lt3A = arith.constant 125 : i32
      %lt3A_90 = arith.cmpi slt, %add3A_77, %lt3A : i32
      %convert_element_type3A = arith.extui %lt3A_90 : i1 to i32
      %cond3A = arith.constant 0 : i32
      %cond3A_91 = arith.cmpi ne, %convert_element_type3A, %cond3A : i32
      scf.if %cond3A_91 {
        %mul3A_130 = arith.constant 80 : i32
        %mul3A_131 = arith.muli %add3A_77, %mul3A_130 : i32
        %dma_start3A_132 = tpu.memref_slice %arg7[%mul3A_131] : memref<10000xi32, #tpu.memory_space<vmem>> -> memref<80xi32, #tpu.memory_space<vmem>>
        %dma_start3A_133 = arith.constant 0 : i32
        %dma_start3A_134 = arith.constant 0 : i32
        %dma_start3A_135 = tpu.memref_slice %arg2[%dma_start3A_133, %dma_start3A_134] : memref<10000x128xf32, #tpu.memory_space<hbm>> -> memref<10000x128xf32, #tpu.memory_space<hbm>>
        tpu.enqueue_indirect_dma source(%dma_start3A_135 : memref<10000x128xf32, #tpu.memory_space<hbm>>) target(%arg11 : memref<80x128xf32, #tpu.memory_space<vmem>>) offsets(%dma_start3A_132 : memref<80xi32, #tpu.memory_space<vmem>>) semaphore(%arg15 : memref<!tpu.dma_semaphore, #tpu.memory_space<semaphore_mem>>)
        %dma_start3A_136 = arith.constant 0 : i32
        %dma_start3A_137 = tpu.memref_slice %arg4[%add3A, %add3A_77, %dma_start3A_136] : memref<32x125x80xi32, #tpu.memory_space<hbm>> -> memref<1x1x80xi32, #tpu.memory_space<hbm>>
        %dma_start3A_138 = tpu.memref_squeeze %dma_start3A_137 : memref<1x1x80xi32, #tpu.memory_space<hbm>> -> memref<80xi32, #tpu.memory_space<hbm>>
        %dma_start3A_139 = arith.constant 0 : i32
        %dma_start3A_140 = tpu.memref_slice %arg4[%add3A, %add3A_77, %dma_start3A_139] : memref<32x125x80xi32, #tpu.memory_space<hbm>> -> memref<1x1x80xi32, #tpu.memory_space<hbm>>
        %dma_start3A_141 = tpu.memref_squeeze %dma_start3A_140 : memref<1x1x80xi32, #tpu.memory_space<hbm>> -> memref<80xi32, #tpu.memory_space<hbm>>
        tpu.enqueue_dma source(%dma_start3A_141 : memref<80xi32, #tpu.memory_space<hbm>>) target(%arg8 : memref<80xi32, #tpu.memory_space<vmem>>) target_semaphore(%arg18 : memref<!tpu.dma_semaphore, #tpu.memory_space<semaphore_mem>>)
      } else {
      }
      %add3A_92 = arith.constant 4 : i32
      %add3A_93 = arith.addi %mul3A_75, %add3A_92 : i32
      %dma_wait3A_94 = arith.constant 0 : i32
      %dma_wait3A_95 = tpu.memref_slice %arg7[%dma_wait3A_94] : memref<10000xi32, #tpu.memory_space<vmem>> -> memref<80xi32, #tpu.memory_space<vmem>>
      %dma_wait3A_96 = arith.constant 0 : i32
      %dma_wait3A_97 = arith.constant 0 : i32
      %dma_wait3A_98 = tpu.memref_slice %arg2[%dma_wait3A_96, %dma_wait3A_97] : memref<10000x128xf32, #tpu.memory_space<hbm>> -> memref<10000x128xf32, #tpu.memory_space<hbm>>
      tpu.wait_indirect_dma semaphore(%arg16 : memref<!tpu.dma_semaphore, #tpu.memory_space<semaphore_mem>>) src(%dma_wait3A_98 : memref<10000x128xf32, #tpu.memory_space<hbm>>) dst(%arg12 : memref<80x128xf32, #tpu.memory_space<vmem>>)
      %dma_wait3A_99 = arith.constant 0 : i32
      %dma_wait3A_100 = arith.constant 0 : i32
      %dma_wait3A_101 = tpu.memref_slice %arg4[%add3A, %dma_wait3A_99, %dma_wait3A_100] : memref<32x125x80xi32, #tpu.memory_space<hbm>> -> memref<1x1x80xi32, #tpu.memory_space<hbm>>
      %dma_wait3A_102 = tpu.memref_squeeze %dma_wait3A_101 : memref<1x1x80xi32, #tpu.memory_space<hbm>> -> memref<80xi32, #tpu.memory_space<hbm>>
      %dma_wait3A_103 = arith.constant 0 : i32
      %dma_wait3A_104 = tpu.memref_slice %arg4[%add3A, %dma_wait3A_99, %dma_wait3A_103] : memref<32x125x80xi32, #tpu.memory_space<hbm>> -> memref<1x1x80xi32, #tpu.memory_space<hbm>>
      %dma_wait3A_105 = tpu.memref_squeeze %dma_wait3A_104 : memref<1x1x80xi32, #tpu.memory_space<hbm>> -> memref<80xi32, #tpu.memory_space<hbm>>
      tpu.wait_dma2 semaphore(%arg19 : memref<!tpu.dma_semaphore, #tpu.memory_space<semaphore_mem>>) src(%dma_wait3A_105 : memref<80xi32, #tpu.memory_space<hbm>>) dst(%arg9 : memref<80xi32, #tpu.memory_space<vmem>>)
      "tpu.region"() ({
        %run_scoped3A = tpu.sem_alloc : memref<!tpu.dma_semaphore, #tpu.memory_space<semaphore_mem>>
        %dma_start3A_130 = arith.constant 0 : i32
        %dma_start3A_131 = arith.constant 0 : i32
        %dma_start3A_132 = tpu.memref_slice %arg14[%dma_start3A_130, %dma_start3A_131] : memref<10240x128xf32, #tpu.memory_space<vmem_shared>> -> memref<10240x128xf32, #tpu.memory_space<vmem_shared>>
        tpu.enqueue_indirect_dma source(%arg12 : memref<80x128xf32, #tpu.memory_space<vmem>>) target(%dma_start3A_132 : memref<10240x128xf32, #tpu.memory_space<vmem_shared>>) offsets(%arg9 : memref<80xi32, #tpu.memory_space<vmem>>) semaphore(%run_scoped3A : memref<!tpu.dma_semaphore, #tpu.memory_space<semaphore_mem>>) {add = true}
        %dma_wait3A_133 = arith.constant 0 : i32
        %dma_wait3A_134 = arith.constant 0 : i32
        %dma_wait3A_135 = tpu.memref_slice %arg14[%dma_wait3A_133, %dma_wait3A_134] : memref<10240x128xf32, #tpu.memory_space<vmem_shared>> -> memref<10240x128xf32, #tpu.memory_space<vmem_shared>>
        tpu.wait_indirect_dma semaphore(%run_scoped3A : memref<!tpu.dma_semaphore, #tpu.memory_space<semaphore_mem>>) src(%arg12 : memref<80x128xf32, #tpu.memory_space<vmem>>) dst(%dma_wait3A_135 : memref<10240x128xf32, #tpu.memory_space<vmem_shared>>)
        tpu.yield
      }) : () -> ()
      %lt3A_106 = arith.constant 125 : i32
      %lt3A_107 = arith.cmpi slt, %add3A_93, %lt3A_106 : i32
      %convert_element_type3A_108 = arith.extui %lt3A_107 : i1 to i32
      %cond3A_109 = arith.constant 0 : i32
      %cond3A_110 = arith.cmpi ne, %convert_element_type3A_108, %cond3A_109 : i32
      scf.if %cond3A_110 {
        %mul3A_130 = arith.constant 80 : i32
        %mul3A_131 = arith.muli %add3A_93, %mul3A_130 : i32
        %dma_start3A_132 = tpu.memref_slice %arg7[%mul3A_131] : memref<10000xi32, #tpu.memory_space<vmem>> -> memref<80xi32, #tpu.memory_space<vmem>>
        %dma_start3A_133 = arith.constant 0 : i32
        %dma_start3A_134 = arith.constant 0 : i32
        %dma_start3A_135 = tpu.memref_slice %arg2[%dma_start3A_133, %dma_start3A_134] : memref<10000x128xf32, #tpu.memory_space<hbm>> -> memref<10000x128xf32, #tpu.memory_space<hbm>>
        tpu.enqueue_indirect_dma source(%dma_start3A_135 : memref<10000x128xf32, #tpu.memory_space<hbm>>) target(%arg12 : memref<80x128xf32, #tpu.memory_space<vmem>>) offsets(%dma_start3A_132 : memref<80xi32, #tpu.memory_space<vmem>>) semaphore(%arg16 : memref<!tpu.dma_semaphore, #tpu.memory_space<semaphore_mem>>)
        %dma_start3A_136 = arith.constant 0 : i32
        %dma_start3A_137 = tpu.memref_slice %arg4[%add3A, %add3A_93, %dma_start3A_136] : memref<32x125x80xi32, #tpu.memory_space<hbm>> -> memref<1x1x80xi32, #tpu.memory_space<hbm>>
        %dma_start3A_138 = tpu.memref_squeeze %dma_start3A_137 : memref<1x1x80xi32, #tpu.memory_space<hbm>> -> memref<80xi32, #tpu.memory_space<hbm>>
        %dma_start3A_139 = arith.constant 0 : i32
        %dma_start3A_140 = tpu.memref_slice %arg4[%add3A, %add3A_93, %dma_start3A_139] : memref<32x125x80xi32, #tpu.memory_space<hbm>> -> memref<1x1x80xi32, #tpu.memory_space<hbm>>
        %dma_start3A_141 = tpu.memref_squeeze %dma_start3A_140 : memref<1x1x80xi32, #tpu.memory_space<hbm>> -> memref<80xi32, #tpu.memory_space<hbm>>
        tpu.enqueue_dma source(%dma_start3A_141 : memref<80xi32, #tpu.memory_space<hbm>>) target(%arg9 : memref<80xi32, #tpu.memory_space<vmem>>) target_semaphore(%arg19 : memref<!tpu.dma_semaphore, #tpu.memory_space<semaphore_mem>>)
      } else {
      }
      %add3A_111 = arith.constant 5 : i32
      %add3A_112 = arith.addi %mul3A_75, %add3A_111 : i32
      %dma_wait3A_113 = arith.constant 0 : i32
      %dma_wait3A_114 = tpu.memref_slice %arg7[%dma_wait3A_113] : memref<10000xi32, #tpu.memory_space<vmem>> -> memref<80xi32, #tpu.memory_space<vmem>>
      %dma_wait3A_115 = arith.constant 0 : i32
      %dma_wait3A_116 = arith.constant 0 : i32
      %dma_wait3A_117 = tpu.memref_slice %arg2[%dma_wait3A_115, %dma_wait3A_116] : memref<10000x128xf32, #tpu.memory_space<hbm>> -> memref<10000x128xf32, #tpu.memory_space<hbm>>
      tpu.wait_indirect_dma semaphore(%arg17 : memref<!tpu.dma_semaphore, #tpu.memory_space<semaphore_mem>>) src(%dma_wait3A_117 : memref<10000x128xf32, #tpu.memory_space<hbm>>) dst(%arg13 : memref<80x128xf32, #tpu.memory_space<vmem>>)
      %dma_wait3A_118 = arith.constant 0 : i32
      %dma_wait3A_119 = arith.constant 0 : i32
      %dma_wait3A_120 = tpu.memref_slice %arg4[%add3A, %dma_wait3A_118, %dma_wait3A_119] : memref<32x125x80xi32, #tpu.memory_space<hbm>> -> memref<1x1x80xi32, #tpu.memory_space<hbm>>
      %dma_wait3A_121 = tpu.memref_squeeze %dma_wait3A_120 : memref<1x1x80xi32, #tpu.memory_space<hbm>> -> memref<80xi32, #tpu.memory_space<hbm>>
      %dma_wait3A_122 = arith.constant 0 : i32
      %dma_wait3A_123 = tpu.memref_slice %arg4[%add3A, %dma_wait3A_118, %dma_wait3A_122] : memref<32x125x80xi32, #tpu.memory_space<hbm>> -> memref<1x1x80xi32, #tpu.memory_space<hbm>>
      %dma_wait3A_124 = tpu.memref_squeeze %dma_wait3A_123 : memref<1x1x80xi32, #tpu.memory_space<hbm>> -> memref<80xi32, #tpu.memory_space<hbm>>
      tpu.wait_dma2 semaphore(%arg20 : memref<!tpu.dma_semaphore, #tpu.memory_space<semaphore_mem>>) src(%dma_wait3A_124 : memref<80xi32, #tpu.memory_space<hbm>>) dst(%arg10 : memref<80xi32, #tpu.memory_space<vmem>>)
      "tpu.region"() ({
        %run_scoped3A = tpu.sem_alloc : memref<!tpu.dma_semaphore, #tpu.memory_space<semaphore_mem>>
        %dma_start3A_130 = arith.constant 0 : i32
        %dma_start3A_131 = arith.constant 0 : i32
        %dma_start3A_132 = tpu.memref_slice %arg14[%dma_start3A_130, %dma_start3A_131] : memref<10240x128xf32, #tpu.memory_space<vmem_shared>> -> memref<10240x128xf32, #tpu.memory_space<vmem_shared>>
        tpu.enqueue_indirect_dma source(%arg13 : memref<80x128xf32, #tpu.memory_space<vmem>>) target(%dma_start3A_132 : memref<10240x128xf32, #tpu.memory_space<vmem_shared>>) offsets(%arg10 : memref<80xi32, #tpu.memory_space<vmem>>) semaphore(%run_scoped3A : memref<!tpu.dma_semaphore, #tpu.memory_space<semaphore_mem>>) {add = true}
        %dma_wait3A_133 = arith.constant 0 : i32
        %dma_wait3A_134 = arith.constant 0 : i32
        %dma_wait3A_135 = tpu.memref_slice %arg14[%dma_wait3A_133, %dma_wait3A_134] : memref<10240x128xf32, #tpu.memory_space<vmem_shared>> -> memref<10240x128xf32, #tpu.memory_space<vmem_shared>>
        tpu.wait_indirect_dma semaphore(%run_scoped3A : memref<!tpu.dma_semaphore, #tpu.memory_space<semaphore_mem>>) src(%arg13 : memref<80x128xf32, #tpu.memory_space<vmem>>) dst(%dma_wait3A_135 : memref<10240x128xf32, #tpu.memory_space<vmem_shared>>)
        tpu.yield
      }) : () -> ()
      %lt3A_125 = arith.constant 125 : i32
      %lt3A_126 = arith.cmpi slt, %add3A_112, %lt3A_125 : i32
      %convert_element_type3A_127 = arith.extui %lt3A_126 : i1 to i32
      %cond3A_128 = arith.constant 0 : i32
      %cond3A_129 = arith.cmpi ne, %convert_element_type3A_127, %cond3A_128 : i32
      scf.if %cond3A_129 {
        %mul3A_130 = arith.constant 80 : i32
        %mul3A_131 = arith.muli %add3A_112, %mul3A_130 : i32
        %dma_start3A_132 = tpu.memref_slice %arg7[%mul3A_131] : memref<10000xi32, #tpu.memory_space<vmem>> -> memref<80xi32, #tpu.memory_space<vmem>>
        %dma_start3A_133 = arith.constant 0 : i32
        %dma_start3A_134 = arith.constant 0 : i32
        %dma_start3A_135 = tpu.memref_slice %arg2[%dma_start3A_133, %dma_start3A_134] : memref<10000x128xf32, #tpu.memory_space<hbm>> -> memref<10000x128xf32, #tpu.memory_space<hbm>>
        tpu.enqueue_indirect_dma source(%dma_start3A_135 : memref<10000x128xf32, #tpu.memory_space<hbm>>) target(%arg13 : memref<80x128xf32, #tpu.memory_space<vmem>>) offsets(%dma_start3A_132 : memref<80xi32, #tpu.memory_space<vmem>>) semaphore(%arg17 : memref<!tpu.dma_semaphore, #tpu.memory_space<semaphore_mem>>)
        %dma_start3A_136 = arith.constant 0 : i32
        %dma_start3A_137 = tpu.memref_slice %arg4[%add3A, %add3A_112, %dma_start3A_136] : memref<32x125x80xi32, #tpu.memory_space<hbm>> -> memref<1x1x80xi32, #tpu.memory_space<hbm>>
        %dma_start3A_138 = tpu.memref_squeeze %dma_start3A_137 : memref<1x1x80xi32, #tpu.memory_space<hbm>> -> memref<80xi32, #tpu.memory_space<hbm>>
        %dma_start3A_139 = arith.constant 0 : i32
        %dma_start3A_140 = tpu.memref_slice %arg4[%add3A, %add3A_112, %dma_start3A_139] : memref<32x125x80xi32, #tpu.memory_space<hbm>> -> memref<1x1x80xi32, #tpu.memory_space<hbm>>
        %dma_start3A_141 = tpu.memref_squeeze %dma_start3A_140 : memref<1x1x80xi32, #tpu.memory_space<hbm>> -> memref<80xi32, #tpu.memory_space<hbm>>
        tpu.enqueue_dma source(%dma_start3A_141 : memref<80xi32, #tpu.memory_space<hbm>>) target(%arg10 : memref<80xi32, #tpu.memory_space<vmem>>) target_semaphore(%arg20 : memref<!tpu.dma_semaphore, #tpu.memory_space<semaphore_mem>>)
      } else {
      }
    }
    %scan3A_44 = arith.constant 41 : i32
    %dma_wait3A = arith.constant 0 : i32
    %dma_wait3A_45 = tpu.memref_slice %arg7[%dma_wait3A] : memref<10000xi32, #tpu.memory_space<vmem>> -> memref<80xi32, #tpu.memory_space<vmem>>
    %dma_wait3A_46 = arith.constant 0 : i32
    %dma_wait3A_47 = arith.constant 0 : i32
    %dma_wait3A_48 = tpu.memref_slice %arg2[%dma_wait3A_46, %dma_wait3A_47] : memref<10000x128xf32, #tpu.memory_space<hbm>> -> memref<10000x128xf32, #tpu.memory_space<hbm>>
    tpu.wait_indirect_dma semaphore(%arg15 : memref<!tpu.dma_semaphore, #tpu.memory_space<semaphore_mem>>) src(%dma_wait3A_48 : memref<10000x128xf32, #tpu.memory_space<hbm>>) dst(%arg11 : memref<80x128xf32, #tpu.memory_space<vmem>>)
    %dma_wait3A_49 = arith.constant 0 : i32
    %dma_wait3A_50 = arith.constant 0 : i32
    %dma_wait3A_51 = tpu.memref_slice %arg4[%add3A, %dma_wait3A_49, %dma_wait3A_50] : memref<32x125x80xi32, #tpu.memory_space<hbm>> -> memref<1x1x80xi32, #tpu.memory_space<hbm>>
    %dma_wait3A_52 = tpu.memref_squeeze %dma_wait3A_51 : memref<1x1x80xi32, #tpu.memory_space<hbm>> -> memref<80xi32, #tpu.memory_space<hbm>>
    %dma_wait3A_53 = arith.constant 0 : i32
    %dma_wait3A_54 = tpu.memref_slice %arg4[%add3A, %dma_wait3A_49, %dma_wait3A_53] : memref<32x125x80xi32, #tpu.memory_space<hbm>> -> memref<1x1x80xi32, #tpu.memory_space<hbm>>
    %dma_wait3A_55 = tpu.memref_squeeze %dma_wait3A_54 : memref<1x1x80xi32, #tpu.memory_space<hbm>> -> memref<80xi32, #tpu.memory_space<hbm>>
    tpu.wait_dma2 semaphore(%arg18 : memref<!tpu.dma_semaphore, #tpu.memory_space<semaphore_mem>>) src(%dma_wait3A_55 : memref<80xi32, #tpu.memory_space<hbm>>) dst(%arg8 : memref<80xi32, #tpu.memory_space<vmem>>)
    "tpu.region"() ({
      %run_scoped3A = tpu.sem_alloc : memref<!tpu.dma_semaphore, #tpu.memory_space<semaphore_mem>>
      %dma_start3A_73 = arith.constant 0 : i32
      %dma_start3A_74 = arith.constant 0 : i32
      %dma_start3A_75 = tpu.memref_slice %arg14[%dma_start3A_73, %dma_start3A_74] : memref<10240x128xf32, #tpu.memory_space<vmem_shared>> -> memref<10240x128xf32, #tpu.memory_space<vmem_shared>>
      tpu.enqueue_indirect_dma source(%arg11 : memref<80x128xf32, #tpu.memory_space<vmem>>) target(%dma_start3A_75 : memref<10240x128xf32, #tpu.memory_space<vmem_shared>>) offsets(%arg8 : memref<80xi32, #tpu.memory_space<vmem>>) semaphore(%run_scoped3A : memref<!tpu.dma_semaphore, #tpu.memory_space<semaphore_mem>>) {add = true}
      %dma_wait3A_76 = arith.constant 0 : i32
      %dma_wait3A_77 = arith.constant 0 : i32
      %dma_wait3A_78 = tpu.memref_slice %arg14[%dma_wait3A_76, %dma_wait3A_77] : memref<10240x128xf32, #tpu.memory_space<vmem_shared>> -> memref<10240x128xf32, #tpu.memory_space<vmem_shared>>
      tpu.wait_indirect_dma semaphore(%run_scoped3A : memref<!tpu.dma_semaphore, #tpu.memory_space<semaphore_mem>>) src(%arg11 : memref<80x128xf32, #tpu.memory_space<vmem>>) dst(%dma_wait3A_78 : memref<10240x128xf32, #tpu.memory_space<vmem_shared>>)
      tpu.yield
    }) : () -> ()
    %dma_wait3A_56 = arith.constant 0 : i32
    %dma_wait3A_57 = tpu.memref_slice %arg7[%dma_wait3A_56] : memref<10000xi32, #tpu.memory_space<vmem>> -> memref<80xi32, #tpu.memory_space<vmem>>
    %dma_wait3A_58 = arith.constant 0 : i32
    %dma_wait3A_59 = arith.constant 0 : i32
    %dma_wait3A_60 = tpu.memref_slice %arg2[%dma_wait3A_58, %dma_wait3A_59] : memref<10000x128xf32, #tpu.memory_space<hbm>> -> memref<10000x128xf32, #tpu.memory_space<hbm>>
    tpu.wait_indirect_dma semaphore(%arg16 : memref<!tpu.dma_semaphore, #tpu.memory_space<semaphore_mem>>) src(%dma_wait3A_60 : memref<10000x128xf32, #tpu.memory_space<hbm>>) dst(%arg12 : memref<80x128xf32, #tpu.memory_space<vmem>>)
    %dma_wait3A_61 = arith.constant 0 : i32
    %dma_wait3A_62 = arith.constant 0 : i32
    %dma_wait3A_63 = tpu.memref_slice %arg4[%add3A, %dma_wait3A_61, %dma_wait3A_62] : memref<32x125x80xi32, #tpu.memory_space<hbm>> -> memref<1x1x80xi32, #tpu.memory_space<hbm>>
    %dma_wait3A_64 = tpu.memref_squeeze %dma_wait3A_63 : memref<1x1x80xi32, #tpu.memory_space<hbm>> -> memref<80xi32, #tpu.memory_space<hbm>>
    %dma_wait3A_65 = arith.constant 0 : i32
    %dma_wait3A_66 = tpu.memref_slice %arg4[%add3A, %dma_wait3A_61, %dma_wait3A_65] : memref<32x125x80xi32, #tpu.memory_space<hbm>> -> memref<1x1x80xi32, #tpu.memory_space<hbm>>
    %dma_wait3A_67 = tpu.memref_squeeze %dma_wait3A_66 : memref<1x1x80xi32, #tpu.memory_space<hbm>> -> memref<80xi32, #tpu.memory_space<hbm>>
    tpu.wait_dma2 semaphore(%arg19 : memref<!tpu.dma_semaphore, #tpu.memory_space<semaphore_mem>>) src(%dma_wait3A_67 : memref<80xi32, #tpu.memory_space<hbm>>) dst(%arg9 : memref<80xi32, #tpu.memory_space<vmem>>)
    "tpu.region"() ({
      %run_scoped3A = tpu.sem_alloc : memref<!tpu.dma_semaphore, #tpu.memory_space<semaphore_mem>>
      %dma_start3A_73 = arith.constant 0 : i32
      %dma_start3A_74 = arith.constant 0 : i32
      %dma_start3A_75 = tpu.memref_slice %arg14[%dma_start3A_73, %dma_start3A_74] : memref<10240x128xf32, #tpu.memory_space<vmem_shared>> -> memref<10240x128xf32, #tpu.memory_space<vmem_shared>>
      tpu.enqueue_indirect_dma source(%arg12 : memref<80x128xf32, #tpu.memory_space<vmem>>) target(%dma_start3A_75 : memref<10240x128xf32, #tpu.memory_space<vmem_shared>>) offsets(%arg9 : memref<80xi32, #tpu.memory_space<vmem>>) semaphore(%run_scoped3A : memref<!tpu.dma_semaphore, #tpu.memory_space<semaphore_mem>>) {add = true}
      %dma_wait3A_76 = arith.constant 0 : i32
      %dma_wait3A_77 = arith.constant 0 : i32
      %dma_wait3A_78 = tpu.memref_slice %arg14[%dma_wait3A_76, %dma_wait3A_77] : memref<10240x128xf32, #tpu.memory_space<vmem_shared>> -> memref<10240x128xf32, #tpu.memory_space<vmem_shared>>
      tpu.wait_indirect_dma semaphore(%run_scoped3A : memref<!tpu.dma_semaphore, #tpu.memory_space<semaphore_mem>>) src(%arg12 : memref<80x128xf32, #tpu.memory_space<vmem>>) dst(%dma_wait3A_78 : memref<10240x128xf32, #tpu.memory_space<vmem_shared>>)
      tpu.yield
    }) : () -> ()
    %barrier3A_68 = arith.constant 0 : index
    tpu.barrier barrier_id(%barrier3A_68)
    %mul3A_69 = arith.constant 640 : i32
    %mul3A_70 = arith.muli %arg1, %mul3A_69 : i32
    %mul3A_71 = arith.constant 640 : i32
    %mul3A_72 = arith.muli %arg1, %mul3A_71 : i32
    "tpu.region"() ({
      %run_scoped3A = tpu.sem_alloc : memref<!tpu.dma_semaphore, #tpu.memory_space<semaphore_mem>>
      %dma_start3A_73 = arith.constant 0 : i32
      %dma_start3A_74 = tpu.memref_slice %arg6[%arg0, %mul3A_72, %dma_start3A_73] : memref<2x10240x128xf32, #tpu.memory_space<hbm>> -> memref<1x640x128xf32, #tpu.memory_space<hbm>>
      %dma_start3A_75 = tpu.memref_squeeze %dma_start3A_74 : memref<1x640x128xf32, #tpu.memory_space<hbm>> -> memref<640x128xf32, #tpu.memory_space<hbm>>
      %dma_start3A_76 = arith.constant 0 : i32
      %dma_start3A_77 = tpu.memref_slice %arg14[%mul3A_70, %dma_start3A_76] : memref<10240x128xf32, #tpu.memory_space<vmem_shared>> -> memref<640x128xf32, #tpu.memory_space<vmem_shared>>
      tpu.enqueue_dma source(%dma_start3A_77 : memref<640x128xf32, #tpu.memory_space<vmem_shared>>) target(%dma_start3A_75 : memref<640x128xf32, #tpu.memory_space<hbm>>) target_semaphore(%run_scoped3A : memref<!tpu.dma_semaphore, #tpu.memory_space<semaphore_mem>>)
      %dma_wait3A_78 = arith.constant 0 : i32
      %dma_wait3A_79 = tpu.memref_slice %arg6[%arg0, %mul3A_72, %dma_wait3A_78] : memref<2x10240x128xf32, #tpu.memory_space<hbm>> -> memref<1x640x128xf32, #tpu.memory_space<hbm>>
      %dma_wait3A_80 = tpu.memref_squeeze %dma_wait3A_79 : memref<1x640x128xf32, #tpu.memory_space<hbm>> -> memref<640x128xf32, #tpu.memory_space<hbm>>
      %dma_wait3A_81 = arith.constant 0 : i32
      %dma_wait3A_82 = tpu.memref_slice %arg14[%mul3A_70, %dma_wait3A_81] : memref<10240x128xf32, #tpu.memory_space<vmem_shared>> -> memref<640x128xf32, #tpu.memory_space<vmem_shared>>
      tpu.wait_dma2 semaphore(%run_scoped3A : memref<!tpu.dma_semaphore, #tpu.memory_space<semaphore_mem>>) src(%dma_wait3A_82 : memref<640x128xf32, #tpu.memory_space<vmem_shared>>) dst(%dma_wait3A_80 : memref<640x128xf32, #tpu.memory_space<hbm>>)
      tpu.yield
    }) : () -> ()
    return
  }
}

#map = affine_map<(d0, d1) -> (0, 0)>
#map1 = affine_map<(d0, d1) -> (0)>
#map2 = affine_map<(d0, d1) -> (0, 0, 0)>
module attributes {stable_mosaic.version = 14 : i64} {
  func.func @_agg_kernel(%arg0: i32, %arg1: i32, %arg2: memref<10000x128xf32, #tpu.memory_space<hbm>>, %arg3: memref<320000xi32, #tpu.memory_space<hbm>>, %arg4: memref<32x125x80xi32, #tpu.memory_space<hbm>>, %arg5: memref<640x128xf32, #tpu.memory_space<hbm>>, %arg6: memref<2x10240x128xf32, #tpu.memory_space<hbm>>, %arg7: memref<10000xi32, #tpu.memory_space<vmem>>, %arg8: memref<80xi32, #tpu.memory_space<vmem>>, %arg9: memref<80xi32, #tpu.memory_space<vmem>>, %arg10: memref<80xi32, #tpu.memory_space<vmem>>, %arg11: memref<80x128xf32, #tpu.memory_space<vmem>>, %arg12: memref<80x128xf32, #tpu.memory_space<vmem>>, %arg13: memref<80x128xf32, #tpu.memory_space<vmem>>, %arg14: memref<10240x128xf32, #tpu.memory_space<vmem_shared>>, %arg15: memref<!tpu.dma_semaphore, #tpu.memory_space<semaphore_mem>>, %arg16: memref<!tpu.dma_semaphore, #tpu.memory_space<semaphore_mem>>, %arg17: memref<!tpu.dma_semaphore, #tpu.memory_space<semaphore_mem>>, %arg18: memref<!tpu.dma_semaphore, #tpu.memory_space<semaphore_mem>>, %arg19: memref<!tpu.dma_semaphore, #tpu.memory_space<semaphore_mem>>, %arg20: memref<!tpu.dma_semaphore, #tpu.memory_space<semaphore_mem>>) attributes {dimension_semantics = [#tpu.dimension_semantics<core_parallel>, #tpu.dimension_semantics<subcore_parallel>], iteration_bounds = array<i64: 2, 16>, scalar_prefetch = 0 : i64, scratch_operands = 14 : i64, tpu.core_type = #tpu.core_type<sc_vector_subcore>, window_params = [{transform_indices = #map}, {transform_indices = #map1}, {transform_indices = #map2}, {transform_indices = #map}, {transform_indices = #map2}]} {
    %mul3A = arith.constant 16 : i32
    %mul3A_0 = arith.muli %arg0, %mul3A : i32
    %add3A = arith.addi %mul3A_0, %arg1 : i32
    %mul3A_1 = arith.constant 10000 : i32
    %mul3A_2 = arith.muli %add3A, %mul3A_1 : i32
    "tpu.region"() ({
      %run_scoped3A = tpu.sem_alloc : memref<!tpu.dma_semaphore, #tpu.memory_space<semaphore_mem>>
      %dma_start3A_73 = tpu.memref_slice %arg3[%mul3A_2] : memref<320000xi32, #tpu.memory_space<hbm>> -> memref<10000xi32, #tpu.memory_space<hbm>>
      %dma_start3A_74 = tpu.memref_slice %arg3[%mul3A_2] : memref<320000xi32, #tpu.memory_space<hbm>> -> memref<10000xi32, #tpu.memory_space<hbm>>
      tpu.enqueue_dma source(%dma_start3A_74 : memref<10000xi32, #tpu.memory_space<hbm>>) target(%arg7 : memref<10000xi32, #tpu.memory_space<vmem>>) target_semaphore(%run_scoped3A : memref<!tpu.dma_semaphore, #tpu.memory_space<semaphore_mem>>)
      %dma_wait3A_75 = tpu.memref_slice %arg3[%mul3A_2] : memref<320000xi32, #tpu.memory_space<hbm>> -> memref<10000xi32, #tpu.memory_space<hbm>>
      %dma_wait3A_76 = tpu.memref_slice %arg3[%mul3A_2] : memref<320000xi32, #tpu.memory_space<hbm>> -> memref<10000xi32, #tpu.memory_space<hbm>>
      tpu.wait_dma2 semaphore(%run_scoped3A : memref<!tpu.dma_semaphore, #tpu.memory_space<semaphore_mem>>) src(%dma_wait3A_76 : memref<10000xi32, #tpu.memory_space<hbm>>) dst(%arg7 : memref<10000xi32, #tpu.memory_space<vmem>>)
      tpu.yield
    }) : () -> ()
    %mul3A_3 = arith.constant 640 : i32
    %mul3A_4 = arith.muli %arg1, %mul3A_3 : i32
    "tpu.region"() ({
      %run_scoped3A = tpu.sem_alloc : memref<!tpu.dma_semaphore, #tpu.memory_space<semaphore_mem>>
      %dma_start3A_73 = arith.constant 0 : i32
      %dma_start3A_74 = tpu.memref_slice %arg14[%mul3A_4, %dma_start3A_73] : memref<10240x128xf32, #tpu.memory_space<vmem_shared>> -> memref<640x128xf32, #tpu.memory_space<vmem_shared>>
      tpu.enqueue_dma source(%arg5 : memref<640x128xf32, #tpu.memory_space<hbm>>) target(%dma_start3A_74 : memref<640x128xf32, #tpu.memory_space<vmem_shared>>) target_semaphore(%run_scoped3A : memref<!tpu.dma_semaphore, #tpu.memory_space<semaphore_mem>>)
      %dma_wait3A_75 = arith.constant 0 : i32
      %dma_wait3A_76 = tpu.memref_slice %arg14[%mul3A_4, %dma_wait3A_75] : memref<10240x128xf32, #tpu.memory_space<vmem_shared>> -> memref<640x128xf32, #tpu.memory_space<vmem_shared>>
      tpu.wait_dma2 semaphore(%run_scoped3A : memref<!tpu.dma_semaphore, #tpu.memory_space<semaphore_mem>>) src(%arg5 : memref<640x128xf32, #tpu.memory_space<hbm>>) dst(%dma_wait3A_76 : memref<640x128xf32, #tpu.memory_space<vmem_shared>>)
      tpu.yield
    }) : () -> ()
    %barrier3A = arith.constant 0 : index
    tpu.barrier barrier_id(%barrier3A)
    %dma_start3A = arith.constant 0 : i32
    %dma_start3A_5 = tpu.memref_slice %arg7[%dma_start3A] : memref<10000xi32, #tpu.memory_space<vmem>> -> memref<80xi32, #tpu.memory_space<vmem>>
    %dma_start3A_6 = arith.constant 0 : i32
    %dma_start3A_7 = arith.constant 0 : i32
    %dma_start3A_8 = tpu.memref_slice %arg2[%dma_start3A_6, %dma_start3A_7] : memref<10000x128xf32, #tpu.memory_space<hbm>> -> memref<10000x128xf32, #tpu.memory_space<hbm>>
    tpu.enqueue_indirect_dma source(%dma_start3A_8 : memref<10000x128xf32, #tpu.memory_space<hbm>>) target(%arg11 : memref<80x128xf32, #tpu.memory_space<vmem>>) offsets(%dma_start3A_5 : memref<80xi32, #tpu.memory_space<vmem>>) semaphore(%arg15 : memref<!tpu.dma_semaphore, #tpu.memory_space<semaphore_mem>>)
    %dma_start3A_9 = arith.constant 0 : i32
    %dma_start3A_10 = arith.constant 0 : i32
    %dma_start3A_11 = tpu.memref_slice %arg4[%add3A, %dma_start3A_9, %dma_start3A_10] : memref<32x125x80xi32, #tpu.memory_space<hbm>> -> memref<1x1x80xi32, #tpu.memory_space<hbm>>
    %dma_start3A_12 = tpu.memref_squeeze %dma_start3A_11 : memref<1x1x80xi32, #tpu.memory_space<hbm>> -> memref<80xi32, #tpu.memory_space<hbm>>
    %dma_start3A_13 = arith.constant 0 : i32
    %dma_start3A_14 = tpu.memref_slice %arg4[%add3A, %dma_start3A_9, %dma_start3A_13] : memref<32x125x80xi32, #tpu.memory_space<hbm>> -> memref<1x1x80xi32, #tpu.memory_space<hbm>>
    %dma_start3A_15 = tpu.memref_squeeze %dma_start3A_14 : memref<1x1x80xi32, #tpu.memory_space<hbm>> -> memref<80xi32, #tpu.memory_space<hbm>>
    tpu.enqueue_dma source(%dma_start3A_15 : memref<80xi32, #tpu.memory_space<hbm>>) target(%arg8 : memref<80xi32, #tpu.memory_space<vmem>>) target_semaphore(%arg18 : memref<!tpu.dma_semaphore, #tpu.memory_space<semaphore_mem>>)
    %dma_start3A_16 = arith.constant 80 : i32
    %dma_start3A_17 = tpu.memref_slice %arg7[%dma_start3A_16] : memref<10000xi32, #tpu.memory_space<vmem>> -> memref<80xi32, #tpu.memory_space<vmem>>
    %dma_start3A_18 = arith.constant 0 : i32
    %dma_start3A_19 = arith.constant 0 : i32
    %dma_start3A_20 = tpu.memref_slice %arg2[%dma_start3A_18, %dma_start3A_19] : memref<10000x128xf32, #tpu.memory_space<hbm>> -> memref<10000x128xf32, #tpu.memory_space<hbm>>
    tpu.enqueue_indirect_dma source(%dma_start3A_20 : memref<10000x128xf32, #tpu.memory_space<hbm>>) target(%arg12 : memref<80x128xf32, #tpu.memory_space<vmem>>) offsets(%dma_start3A_17 : memref<80xi32, #tpu.memory_space<vmem>>) semaphore(%arg16 : memref<!tpu.dma_semaphore, #tpu.memory_space<semaphore_mem>>)
    %dma_start3A_21 = arith.constant 1 : i32
    %dma_start3A_22 = arith.constant 0 : i32
    %dma_start3A_23 = tpu.memref_slice %arg4[%add3A, %dma_start3A_21, %dma_start3A_22] : memref<32x125x80xi32, #tpu.memory_space<hbm>> -> memref<1x1x80xi32, #tpu.memory_space<hbm>>
    %dma_start3A_24 = tpu.memref_squeeze %dma_start3A_23 : memref<1x1x80xi32, #tpu.memory_space<hbm>> -> memref<80xi32, #tpu.memory_space<hbm>>
    %dma_start3A_25 = arith.constant 0 : i32
    %dma_start3A_26 = tpu.memref_slice %arg4[%add3A, %dma_start3A_21, %dma_start3A_25] : memref<32x125x80xi32, #tpu.memory_space<hbm>> -> memref<1x1x80xi32, #tpu.memory_space<hbm>>
    %dma_start3A_27 = tpu.memref_squeeze %dma_start3A_26 : memref<1x1x80xi32, #tpu.memory_space<hbm>> -> memref<80xi32, #tpu.memory_space<hbm>>
    tpu.enqueue_dma source(%dma_start3A_27 : memref<80xi32, #tpu.memory_space<hbm>>) target(%arg9 : memref<80xi32, #tpu.memory_space<vmem>>) target_semaphore(%arg19 : memref<!tpu.dma_semaphore, #tpu.memory_space<semaphore_mem>>)
    %dma_start3A_28 = arith.constant 160 : i32
    %dma_start3A_29 = tpu.memref_slice %arg7[%dma_start3A_28] : memref<10000xi32, #tpu.memory_space<vmem>> -> memref<80xi32, #tpu.memory_space<vmem>>
    %dma_start3A_30 = arith.constant 0 : i32
    %dma_start3A_31 = arith.constant 0 : i32
    %dma_start3A_32 = tpu.memref_slice %arg2[%dma_start3A_30, %dma_start3A_31] : memref<10000x128xf32, #tpu.memory_space<hbm>> -> memref<10000x128xf32, #tpu.memory_space<hbm>>
    tpu.enqueue_indirect_dma source(%dma_start3A_32 : memref<10000x128xf32, #tpu.memory_space<hbm>>) target(%arg13 : memref<80x128xf32, #tpu.memory_space<vmem>>) offsets(%dma_start3A_29 : memref<80xi32, #tpu.memory_space<vmem>>) semaphore(%arg17 : memref<!tpu.dma_semaphore, #tpu.memory_space<semaphore_mem>>)
    %dma_start3A_33 = arith.constant 2 : i32
    %dma_start3A_34 = arith.constant 0 : i32
    %dma_start3A_35 = tpu.memref_slice %arg4[%add3A, %dma_start3A_33, %dma_start3A_34] : memref<32x125x80xi32, #tpu.memory_space<hbm>> -> memref<1x1x80xi32, #tpu.memory_space<hbm>>
    %dma_start3A_36 = tpu.memref_squeeze %dma_start3A_35 : memref<1x1x80xi32, #tpu.memory_space<hbm>> -> memref<80xi32, #tpu.memory_space<hbm>>
    %dma_start3A_37 = arith.constant 0 : i32
    %dma_start3A_38 = tpu.memref_slice %arg4[%add3A, %dma_start3A_33, %dma_start3A_37] : memref<32x125x80xi32, #tpu.memory_space<hbm>> -> memref<1x1x80xi32, #tpu.memory_space<hbm>>
    %dma_start3A_39 = tpu.memref_squeeze %dma_start3A_38 : memref<1x1x80xi32, #tpu.memory_space<hbm>> -> memref<80xi32, #tpu.memory_space<hbm>>
    tpu.enqueue_dma source(%dma_start3A_39 : memref<80xi32, #tpu.memory_space<hbm>>) target(%arg10 : memref<80xi32, #tpu.memory_space<vmem>>) target_semaphore(%arg20 : memref<!tpu.dma_semaphore, #tpu.memory_space<semaphore_mem>>)
    %scan3A = arith.constant 0 : i32
    %scan3A_40 = arith.constant 0 : i32
    %scan3A_41 = arith.constant 41 : i32
    %scan3A_42 = arith.addi %scan3A_40, %scan3A_41 : i32
    %scan3A_43 = arith.constant 1 : i32
    scf.for %scan3A_73 = %scan3A_40 to %scan3A_42 step %scan3A_43  : i32 {
      %mul3A_74 = arith.constant 3 : i32
      %mul3A_75 = arith.muli %mul3A_74, %scan3A_73 : i32
      %add3A_76 = arith.constant 3 : i32
      %add3A_77 = arith.addi %mul3A_75, %add3A_76 : i32
      %dma_wait3A_78 = arith.constant 0 : i32
      %dma_wait3A_79 = tpu.memref_slice %arg7[%dma_wait3A_78] : memref<10000xi32, #tpu.memory_space<vmem>> -> memref<80xi32, #tpu.memory_space<vmem>>
      %dma_wait3A_80 = arith.constant 0 : i32
      %dma_wait3A_81 = arith.constant 0 : i32
      %dma_wait3A_82 = tpu.memref_slice %arg2[%dma_wait3A_80, %dma_wait3A_81] : memref<10000x128xf32, #tpu.memory_space<hbm>> -> memref<10000x128xf32, #tpu.memory_space<hbm>>
      tpu.wait_indirect_dma semaphore(%arg15 : memref<!tpu.dma_semaphore, #tpu.memory_space<semaphore_mem>>) src(%dma_wait3A_82 : memref<10000x128xf32, #tpu.memory_space<hbm>>) dst(%arg11 : memref<80x128xf32, #tpu.memory_space<vmem>>)
      %dma_wait3A_83 = arith.constant 0 : i32
      %dma_wait3A_84 = arith.constant 0 : i32
      %dma_wait3A_85 = tpu.memref_slice %arg4[%add3A, %dma_wait3A_83, %dma_wait3A_84] : memref<32x125x80xi32, #tpu.memory_space<hbm>> -> memref<1x1x80xi32, #tpu.memory_space<hbm>>
      %dma_wait3A_86 = tpu.memref_squeeze %dma_wait3A_85 : memref<1x1x80xi32, #tpu.memory_space<hbm>> -> memref<80xi32, #tpu.memory_space<hbm>>
      %dma_wait3A_87 = arith.constant 0 : i32
      %dma_wait3A_88 = tpu.memref_slice %arg4[%add3A, %dma_wait3A_83, %dma_wait3A_87] : memref<32x125x80xi32, #tpu.memory_space<hbm>> -> memref<1x1x80xi32, #tpu.memory_space<hbm>>
      %dma_wait3A_89 = tpu.memref_squeeze %dma_wait3A_88 : memref<1x1x80xi32, #tpu.memory_space<hbm>> -> memref<80xi32, #tpu.memory_space<hbm>>
      tpu.wait_dma2 semaphore(%arg18 : memref<!tpu.dma_semaphore, #tpu.memory_space<semaphore_mem>>) src(%dma_wait3A_89 : memref<80xi32, #tpu.memory_space<hbm>>) dst(%arg8 : memref<80xi32, #tpu.memory_space<vmem>>)
      "tpu.region"() ({
        %run_scoped3A = tpu.sem_alloc : memref<!tpu.dma_semaphore, #tpu.memory_space<semaphore_mem>>
        %dma_start3A_130 = arith.constant 0 : i32
        %dma_start3A_131 = arith.constant 0 : i32
        %dma_start3A_132 = tpu.memref_slice %arg14[%dma_start3A_130, %dma_start3A_131] : memref<10240x128xf32, #tpu.memory_space<vmem_shared>> -> memref<10240x128xf32, #tpu.memory_space<vmem_shared>>
        tpu.enqueue_indirect_dma source(%arg11 : memref<80x128xf32, #tpu.memory_space<vmem>>) target(%dma_start3A_132 : memref<10240x128xf32, #tpu.memory_space<vmem_shared>>) offsets(%arg8 : memref<80xi32, #tpu.memory_space<vmem>>) semaphore(%run_scoped3A : memref<!tpu.dma_semaphore, #tpu.memory_space<semaphore_mem>>) {add = true}
        %dma_wait3A_133 = arith.constant 0 : i32
        %dma_wait3A_134 = arith.constant 0 : i32
        %dma_wait3A_135 = tpu.memref_slice %arg14[%dma_wait3A_133, %dma_wait3A_134] : memref<10240x128xf32, #tpu.memory_space<vmem_shared>> -> memref<10240x128xf32, #tpu.memory_space<vmem_shared>>
        tpu.wait_indirect_dma semaphore(%run_scoped3A : memref<!tpu.dma_semaphore, #tpu.memory_space<semaphore_mem>>) src(%arg11 : memref<80x128xf32, #tpu.memory_space<vmem>>) dst(%dma_wait3A_135 : memref<10240x128xf32, #tpu.memory_space<vmem_shared>>)
        tpu.yield
      }) : () -> ()
      %lt3A = arith.constant 125 : i32
      %lt3A_90 = arith.cmpi slt, %add3A_77, %lt3A : i32
      %convert_element_type3A = arith.extui %lt3A_90 : i1 to i32
      %cond3A = arith.constant 0 : i32
      %cond3A_91 = arith.cmpi ne, %convert_element_type3A, %cond3A : i32
      scf.if %cond3A_91 {
        %mul3A_130 = arith.constant 80 : i32
        %mul3A_131 = arith.muli %add3A_77, %mul3A_130 : i32
        %dma_start3A_132 = tpu.memref_slice %arg7[%mul3A_131] : memref<10000xi32, #tpu.memory_space<vmem>> -> memref<80xi32, #tpu.memory_space<vmem>>
        %dma_start3A_133 = arith.constant 0 : i32
        %dma_start3A_134 = arith.constant 0 : i32
        %dma_start3A_135 = tpu.memref_slice %arg2[%dma_start3A_133, %dma_start3A_134] : memref<10000x128xf32, #tpu.memory_space<hbm>> -> memref<10000x128xf32, #tpu.memory_space<hbm>>
        tpu.enqueue_indirect_dma source(%dma_start3A_135 : memref<10000x128xf32, #tpu.memory_space<hbm>>) target(%arg11 : memref<80x128xf32, #tpu.memory_space<vmem>>) offsets(%dma_start3A_132 : memref<80xi32, #tpu.memory_space<vmem>>) semaphore(%arg15 : memref<!tpu.dma_semaphore, #tpu.memory_space<semaphore_mem>>)
        %dma_start3A_136 = arith.constant 0 : i32
        %dma_start3A_137 = tpu.memref_slice %arg4[%add3A, %add3A_77, %dma_start3A_136] : memref<32x125x80xi32, #tpu.memory_space<hbm>> -> memref<1x1x80xi32, #tpu.memory_space<hbm>>
        %dma_start3A_138 = tpu.memref_squeeze %dma_start3A_137 : memref<1x1x80xi32, #tpu.memory_space<hbm>> -> memref<80xi32, #tpu.memory_space<hbm>>
        %dma_start3A_139 = arith.constant 0 : i32
        %dma_start3A_140 = tpu.memref_slice %arg4[%add3A, %add3A_77, %dma_start3A_139] : memref<32x125x80xi32, #tpu.memory_space<hbm>> -> memref<1x1x80xi32, #tpu.memory_space<hbm>>
        %dma_start3A_141 = tpu.memref_squeeze %dma_start3A_140 : memref<1x1x80xi32, #tpu.memory_space<hbm>> -> memref<80xi32, #tpu.memory_space<hbm>>
        tpu.enqueue_dma source(%dma_start3A_141 : memref<80xi32, #tpu.memory_space<hbm>>) target(%arg8 : memref<80xi32, #tpu.memory_space<vmem>>) target_semaphore(%arg18 : memref<!tpu.dma_semaphore, #tpu.memory_space<semaphore_mem>>)
      } else {
      }
      %add3A_92 = arith.constant 4 : i32
      %add3A_93 = arith.addi %mul3A_75, %add3A_92 : i32
      %dma_wait3A_94 = arith.constant 0 : i32
      %dma_wait3A_95 = tpu.memref_slice %arg7[%dma_wait3A_94] : memref<10000xi32, #tpu.memory_space<vmem>> -> memref<80xi32, #tpu.memory_space<vmem>>
      %dma_wait3A_96 = arith.constant 0 : i32
      %dma_wait3A_97 = arith.constant 0 : i32
      %dma_wait3A_98 = tpu.memref_slice %arg2[%dma_wait3A_96, %dma_wait3A_97] : memref<10000x128xf32, #tpu.memory_space<hbm>> -> memref<10000x128xf32, #tpu.memory_space<hbm>>
      tpu.wait_indirect_dma semaphore(%arg16 : memref<!tpu.dma_semaphore, #tpu.memory_space<semaphore_mem>>) src(%dma_wait3A_98 : memref<10000x128xf32, #tpu.memory_space<hbm>>) dst(%arg12 : memref<80x128xf32, #tpu.memory_space<vmem>>)
      %dma_wait3A_99 = arith.constant 0 : i32
      %dma_wait3A_100 = arith.constant 0 : i32
      %dma_wait3A_101 = tpu.memref_slice %arg4[%add3A, %dma_wait3A_99, %dma_wait3A_100] : memref<32x125x80xi32, #tpu.memory_space<hbm>> -> memref<1x1x80xi32, #tpu.memory_space<hbm>>
      %dma_wait3A_102 = tpu.memref_squeeze %dma_wait3A_101 : memref<1x1x80xi32, #tpu.memory_space<hbm>> -> memref<80xi32, #tpu.memory_space<hbm>>
      %dma_wait3A_103 = arith.constant 0 : i32
      %dma_wait3A_104 = tpu.memref_slice %arg4[%add3A, %dma_wait3A_99, %dma_wait3A_103] : memref<32x125x80xi32, #tpu.memory_space<hbm>> -> memref<1x1x80xi32, #tpu.memory_space<hbm>>
      %dma_wait3A_105 = tpu.memref_squeeze %dma_wait3A_104 : memref<1x1x80xi32, #tpu.memory_space<hbm>> -> memref<80xi32, #tpu.memory_space<hbm>>
      tpu.wait_dma2 semaphore(%arg19 : memref<!tpu.dma_semaphore, #tpu.memory_space<semaphore_mem>>) src(%dma_wait3A_105 : memref<80xi32, #tpu.memory_space<hbm>>) dst(%arg9 : memref<80xi32, #tpu.memory_space<vmem>>)
      "tpu.region"() ({
        %run_scoped3A = tpu.sem_alloc : memref<!tpu.dma_semaphore, #tpu.memory_space<semaphore_mem>>
        %dma_start3A_130 = arith.constant 0 : i32
        %dma_start3A_131 = arith.constant 0 : i32
        %dma_start3A_132 = tpu.memref_slice %arg14[%dma_start3A_130, %dma_start3A_131] : memref<10240x128xf32, #tpu.memory_space<vmem_shared>> -> memref<10240x128xf32, #tpu.memory_space<vmem_shared>>
        tpu.enqueue_indirect_dma source(%arg12 : memref<80x128xf32, #tpu.memory_space<vmem>>) target(%dma_start3A_132 : memref<10240x128xf32, #tpu.memory_space<vmem_shared>>) offsets(%arg9 : memref<80xi32, #tpu.memory_space<vmem>>) semaphore(%run_scoped3A : memref<!tpu.dma_semaphore, #tpu.memory_space<semaphore_mem>>) {add = true}
        %dma_wait3A_133 = arith.constant 0 : i32
        %dma_wait3A_134 = arith.constant 0 : i32
        %dma_wait3A_135 = tpu.memref_slice %arg14[%dma_wait3A_133, %dma_wait3A_134] : memref<10240x128xf32, #tpu.memory_space<vmem_shared>> -> memref<10240x128xf32, #tpu.memory_space<vmem_shared>>
        tpu.wait_indirect_dma semaphore(%run_scoped3A : memref<!tpu.dma_semaphore, #tpu.memory_space<semaphore_mem>>) src(%arg12 : memref<80x128xf32, #tpu.memory_space<vmem>>) dst(%dma_wait3A_135 : memref<10240x128xf32, #tpu.memory_space<vmem_shared>>)
        tpu.yield
      }) : () -> ()
      %lt3A_106 = arith.constant 125 : i32
      %lt3A_107 = arith.cmpi slt, %add3A_93, %lt3A_106 : i32
      %convert_element_type3A_108 = arith.extui %lt3A_107 : i1 to i32
      %cond3A_109 = arith.constant 0 : i32
      %cond3A_110 = arith.cmpi ne, %convert_element_type3A_108, %cond3A_109 : i32
      scf.if %cond3A_110 {
        %mul3A_130 = arith.constant 80 : i32
        %mul3A_131 = arith.muli %add3A_93, %mul3A_130 : i32
        %dma_start3A_132 = tpu.memref_slice %arg7[%mul3A_131] : memref<10000xi32, #tpu.memory_space<vmem>> -> memref<80xi32, #tpu.memory_space<vmem>>
        %dma_start3A_133 = arith.constant 0 : i32
        %dma_start3A_134 = arith.constant 0 : i32
        %dma_start3A_135 = tpu.memref_slice %arg2[%dma_start3A_133, %dma_start3A_134] : memref<10000x128xf32, #tpu.memory_space<hbm>> -> memref<10000x128xf32, #tpu.memory_space<hbm>>
        tpu.enqueue_indirect_dma source(%dma_start3A_135 : memref<10000x128xf32, #tpu.memory_space<hbm>>) target(%arg12 : memref<80x128xf32, #tpu.memory_space<vmem>>) offsets(%dma_start3A_132 : memref<80xi32, #tpu.memory_space<vmem>>) semaphore(%arg16 : memref<!tpu.dma_semaphore, #tpu.memory_space<semaphore_mem>>)
        %dma_start3A_136 = arith.constant 0 : i32
        %dma_start3A_137 = tpu.memref_slice %arg4[%add3A, %add3A_93, %dma_start3A_136] : memref<32x125x80xi32, #tpu.memory_space<hbm>> -> memref<1x1x80xi32, #tpu.memory_space<hbm>>
        %dma_start3A_138 = tpu.memref_squeeze %dma_start3A_137 : memref<1x1x80xi32, #tpu.memory_space<hbm>> -> memref<80xi32, #tpu.memory_space<hbm>>
        %dma_start3A_139 = arith.constant 0 : i32
        %dma_start3A_140 = tpu.memref_slice %arg4[%add3A, %add3A_93, %dma_start3A_139] : memref<32x125x80xi32, #tpu.memory_space<hbm>> -> memref<1x1x80xi32, #tpu.memory_space<hbm>>
        %dma_start3A_141 = tpu.memref_squeeze %dma_start3A_140 : memref<1x1x80xi32, #tpu.memory_space<hbm>> -> memref<80xi32, #tpu.memory_space<hbm>>
        tpu.enqueue_dma source(%dma_start3A_141 : memref<80xi32, #tpu.memory_space<hbm>>) target(%arg9 : memref<80xi32, #tpu.memory_space<vmem>>) target_semaphore(%arg19 : memref<!tpu.dma_semaphore, #tpu.memory_space<semaphore_mem>>)
      } else {
      }
      %add3A_111 = arith.constant 5 : i32
      %add3A_112 = arith.addi %mul3A_75, %add3A_111 : i32
      %dma_wait3A_113 = arith.constant 0 : i32
      %dma_wait3A_114 = tpu.memref_slice %arg7[%dma_wait3A_113] : memref<10000xi32, #tpu.memory_space<vmem>> -> memref<80xi32, #tpu.memory_space<vmem>>
      %dma_wait3A_115 = arith.constant 0 : i32
      %dma_wait3A_116 = arith.constant 0 : i32
      %dma_wait3A_117 = tpu.memref_slice %arg2[%dma_wait3A_115, %dma_wait3A_116] : memref<10000x128xf32, #tpu.memory_space<hbm>> -> memref<10000x128xf32, #tpu.memory_space<hbm>>
      tpu.wait_indirect_dma semaphore(%arg17 : memref<!tpu.dma_semaphore, #tpu.memory_space<semaphore_mem>>) src(%dma_wait3A_117 : memref<10000x128xf32, #tpu.memory_space<hbm>>) dst(%arg13 : memref<80x128xf32, #tpu.memory_space<vmem>>)
      %dma_wait3A_118 = arith.constant 0 : i32
      %dma_wait3A_119 = arith.constant 0 : i32
      %dma_wait3A_120 = tpu.memref_slice %arg4[%add3A, %dma_wait3A_118, %dma_wait3A_119] : memref<32x125x80xi32, #tpu.memory_space<hbm>> -> memref<1x1x80xi32, #tpu.memory_space<hbm>>
      %dma_wait3A_121 = tpu.memref_squeeze %dma_wait3A_120 : memref<1x1x80xi32, #tpu.memory_space<hbm>> -> memref<80xi32, #tpu.memory_space<hbm>>
      %dma_wait3A_122 = arith.constant 0 : i32
      %dma_wait3A_123 = tpu.memref_slice %arg4[%add3A, %dma_wait3A_118, %dma_wait3A_122] : memref<32x125x80xi32, #tpu.memory_space<hbm>> -> memref<1x1x80xi32, #tpu.memory_space<hbm>>
      %dma_wait3A_124 = tpu.memref_squeeze %dma_wait3A_123 : memref<1x1x80xi32, #tpu.memory_space<hbm>> -> memref<80xi32, #tpu.memory_space<hbm>>
      tpu.wait_dma2 semaphore(%arg20 : memref<!tpu.dma_semaphore, #tpu.memory_space<semaphore_mem>>) src(%dma_wait3A_124 : memref<80xi32, #tpu.memory_space<hbm>>) dst(%arg10 : memref<80xi32, #tpu.memory_space<vmem>>)
      "tpu.region"() ({
        %run_scoped3A = tpu.sem_alloc : memref<!tpu.dma_semaphore, #tpu.memory_space<semaphore_mem>>
        %dma_start3A_130 = arith.constant 0 : i32
        %dma_start3A_131 = arith.constant 0 : i32
        %dma_start3A_132 = tpu.memref_slice %arg14[%dma_start3A_130, %dma_start3A_131] : memref<10240x128xf32, #tpu.memory_space<vmem_shared>> -> memref<10240x128xf32, #tpu.memory_space<vmem_shared>>
        tpu.enqueue_indirect_dma source(%arg13 : memref<80x128xf32, #tpu.memory_space<vmem>>) target(%dma_start3A_132 : memref<10240x128xf32, #tpu.memory_space<vmem_shared>>) offsets(%arg10 : memref<80xi32, #tpu.memory_space<vmem>>) semaphore(%run_scoped3A : memref<!tpu.dma_semaphore, #tpu.memory_space<semaphore_mem>>) {add = true}
        %dma_wait3A_133 = arith.constant 0 : i32
        %dma_wait3A_134 = arith.constant 0 : i32
        %dma_wait3A_135 = tpu.memref_slice %arg14[%dma_wait3A_133, %dma_wait3A_134] : memref<10240x128xf32, #tpu.memory_space<vmem_shared>> -> memref<10240x128xf32, #tpu.memory_space<vmem_shared>>
        tpu.wait_indirect_dma semaphore(%run_scoped3A : memref<!tpu.dma_semaphore, #tpu.memory_space<semaphore_mem>>) src(%arg13 : memref<80x128xf32, #tpu.memory_space<vmem>>) dst(%dma_wait3A_135 : memref<10240x128xf32, #tpu.memory_space<vmem_shared>>)
        tpu.yield
      }) : () -> ()
      %lt3A_125 = arith.constant 125 : i32
      %lt3A_126 = arith.cmpi slt, %add3A_112, %lt3A_125 : i32
      %convert_element_type3A_127 = arith.extui %lt3A_126 : i1 to i32
      %cond3A_128 = arith.constant 0 : i32
      %cond3A_129 = arith.cmpi ne, %convert_element_type3A_127, %cond3A_128 : i32
      scf.if %cond3A_129 {
        %mul3A_130 = arith.constant 80 : i32
        %mul3A_131 = arith.muli %add3A_112, %mul3A_130 : i32
        %dma_start3A_132 = tpu.memref_slice %arg7[%mul3A_131] : memref<10000xi32, #tpu.memory_space<vmem>> -> memref<80xi32, #tpu.memory_space<vmem>>
        %dma_start3A_133 = arith.constant 0 : i32
        %dma_start3A_134 = arith.constant 0 : i32
        %dma_start3A_135 = tpu.memref_slice %arg2[%dma_start3A_133, %dma_start3A_134] : memref<10000x128xf32, #tpu.memory_space<hbm>> -> memref<10000x128xf32, #tpu.memory_space<hbm>>
        tpu.enqueue_indirect_dma source(%dma_start3A_135 : memref<10000x128xf32, #tpu.memory_space<hbm>>) target(%arg13 : memref<80x128xf32, #tpu.memory_space<vmem>>) offsets(%dma_start3A_132 : memref<80xi32, #tpu.memory_space<vmem>>) semaphore(%arg17 : memref<!tpu.dma_semaphore, #tpu.memory_space<semaphore_mem>>)
        %dma_start3A_136 = arith.constant 0 : i32
        %dma_start3A_137 = tpu.memref_slice %arg4[%add3A, %add3A_112, %dma_start3A_136] : memref<32x125x80xi32, #tpu.memory_space<hbm>> -> memref<1x1x80xi32, #tpu.memory_space<hbm>>
        %dma_start3A_138 = tpu.memref_squeeze %dma_start3A_137 : memref<1x1x80xi32, #tpu.memory_space<hbm>> -> memref<80xi32, #tpu.memory_space<hbm>>
        %dma_start3A_139 = arith.constant 0 : i32
        %dma_start3A_140 = tpu.memref_slice %arg4[%add3A, %add3A_112, %dma_start3A_139] : memref<32x125x80xi32, #tpu.memory_space<hbm>> -> memref<1x1x80xi32, #tpu.memory_space<hbm>>
        %dma_start3A_141 = tpu.memref_squeeze %dma_start3A_140 : memref<1x1x80xi32, #tpu.memory_space<hbm>> -> memref<80xi32, #tpu.memory_space<hbm>>
        tpu.enqueue_dma source(%dma_start3A_141 : memref<80xi32, #tpu.memory_space<hbm>>) target(%arg10 : memref<80xi32, #tpu.memory_space<vmem>>) target_semaphore(%arg20 : memref<!tpu.dma_semaphore, #tpu.memory_space<semaphore_mem>>)
      } else {
      }
    }
    %scan3A_44 = arith.constant 41 : i32
    %dma_wait3A = arith.constant 0 : i32
    %dma_wait3A_45 = tpu.memref_slice %arg7[%dma_wait3A] : memref<10000xi32, #tpu.memory_space<vmem>> -> memref<80xi32, #tpu.memory_space<vmem>>
    %dma_wait3A_46 = arith.constant 0 : i32
    %dma_wait3A_47 = arith.constant 0 : i32
    %dma_wait3A_48 = tpu.memref_slice %arg2[%dma_wait3A_46, %dma_wait3A_47] : memref<10000x128xf32, #tpu.memory_space<hbm>> -> memref<10000x128xf32, #tpu.memory_space<hbm>>
    tpu.wait_indirect_dma semaphore(%arg15 : memref<!tpu.dma_semaphore, #tpu.memory_space<semaphore_mem>>) src(%dma_wait3A_48 : memref<10000x128xf32, #tpu.memory_space<hbm>>) dst(%arg11 : memref<80x128xf32, #tpu.memory_space<vmem>>)
    %dma_wait3A_49 = arith.constant 0 : i32
    %dma_wait3A_50 = arith.constant 0 : i32
    %dma_wait3A_51 = tpu.memref_slice %arg4[%add3A, %dma_wait3A_49, %dma_wait3A_50] : memref<32x125x80xi32, #tpu.memory_space<hbm>> -> memref<1x1x80xi32, #tpu.memory_space<hbm>>
    %dma_wait3A_52 = tpu.memref_squeeze %dma_wait3A_51 : memref<1x1x80xi32, #tpu.memory_space<hbm>> -> memref<80xi32, #tpu.memory_space<hbm>>
    %dma_wait3A_53 = arith.constant 0 : i32
    %dma_wait3A_54 = tpu.memref_slice %arg4[%add3A, %dma_wait3A_49, %dma_wait3A_53] : memref<32x125x80xi32, #tpu.memory_space<hbm>> -> memref<1x1x80xi32, #tpu.memory_space<hbm>>
    %dma_wait3A_55 = tpu.memref_squeeze %dma_wait3A_54 : memref<1x1x80xi32, #tpu.memory_space<hbm>> -> memref<80xi32, #tpu.memory_space<hbm>>
    tpu.wait_dma2 semaphore(%arg18 : memref<!tpu.dma_semaphore, #tpu.memory_space<semaphore_mem>>) src(%dma_wait3A_55 : memref<80xi32, #tpu.memory_space<hbm>>) dst(%arg8 : memref<80xi32, #tpu.memory_space<vmem>>)
    "tpu.region"() ({
      %run_scoped3A = tpu.sem_alloc : memref<!tpu.dma_semaphore, #tpu.memory_space<semaphore_mem>>
      %dma_start3A_73 = arith.constant 0 : i32
      %dma_start3A_74 = arith.constant 0 : i32
      %dma_start3A_75 = tpu.memref_slice %arg14[%dma_start3A_73, %dma_start3A_74] : memref<10240x128xf32, #tpu.memory_space<vmem_shared>> -> memref<10240x128xf32, #tpu.memory_space<vmem_shared>>
      tpu.enqueue_indirect_dma source(%arg11 : memref<80x128xf32, #tpu.memory_space<vmem>>) target(%dma_start3A_75 : memref<10240x128xf32, #tpu.memory_space<vmem_shared>>) offsets(%arg8 : memref<80xi32, #tpu.memory_space<vmem>>) semaphore(%run_scoped3A : memref<!tpu.dma_semaphore, #tpu.memory_space<semaphore_mem>>) {add = true}
      %dma_wait3A_76 = arith.constant 0 : i32
      %dma_wait3A_77 = arith.constant 0 : i32
      %dma_wait3A_78 = tpu.memref_slice %arg14[%dma_wait3A_76, %dma_wait3A_77] : memref<10240x128xf32, #tpu.memory_space<vmem_shared>> -> memref<10240x128xf32, #tpu.memory_space<vmem_shared>>
      tpu.wait_indirect_dma semaphore(%run_scoped3A : memref<!tpu.dma_semaphore, #tpu.memory_space<semaphore_mem>>) src(%arg11 : memref<80x128xf32, #tpu.memory_space<vmem>>) dst(%dma_wait3A_78 : memref<10240x128xf32, #tpu.memory_space<vmem_shared>>)
      tpu.yield
    }) : () -> ()
    %dma_wait3A_56 = arith.constant 0 : i32
    %dma_wait3A_57 = tpu.memref_slice %arg7[%dma_wait3A_56] : memref<10000xi32, #tpu.memory_space<vmem>> -> memref<80xi32, #tpu.memory_space<vmem>>
    %dma_wait3A_58 = arith.constant 0 : i32
    %dma_wait3A_59 = arith.constant 0 : i32
    %dma_wait3A_60 = tpu.memref_slice %arg2[%dma_wait3A_58, %dma_wait3A_59] : memref<10000x128xf32, #tpu.memory_space<hbm>> -> memref<10000x128xf32, #tpu.memory_space<hbm>>
    tpu.wait_indirect_dma semaphore(%arg16 : memref<!tpu.dma_semaphore, #tpu.memory_space<semaphore_mem>>) src(%dma_wait3A_60 : memref<10000x128xf32, #tpu.memory_space<hbm>>) dst(%arg12 : memref<80x128xf32, #tpu.memory_space<vmem>>)
    %dma_wait3A_61 = arith.constant 0 : i32
    %dma_wait3A_62 = arith.constant 0 : i32
    %dma_wait3A_63 = tpu.memref_slice %arg4[%add3A, %dma_wait3A_61, %dma_wait3A_62] : memref<32x125x80xi32, #tpu.memory_space<hbm>> -> memref<1x1x80xi32, #tpu.memory_space<hbm>>
    %dma_wait3A_64 = tpu.memref_squeeze %dma_wait3A_63 : memref<1x1x80xi32, #tpu.memory_space<hbm>> -> memref<80xi32, #tpu.memory_space<hbm>>
    %dma_wait3A_65 = arith.constant 0 : i32
    %dma_wait3A_66 = tpu.memref_slice %arg4[%add3A, %dma_wait3A_61, %dma_wait3A_65] : memref<32x125x80xi32, #tpu.memory_space<hbm>> -> memref<1x1x80xi32, #tpu.memory_space<hbm>>
    %dma_wait3A_67 = tpu.memref_squeeze %dma_wait3A_66 : memref<1x1x80xi32, #tpu.memory_space<hbm>> -> memref<80xi32, #tpu.memory_space<hbm>>
    tpu.wait_dma2 semaphore(%arg19 : memref<!tpu.dma_semaphore, #tpu.memory_space<semaphore_mem>>) src(%dma_wait3A_67 : memref<80xi32, #tpu.memory_space<hbm>>) dst(%arg9 : memref<80xi32, #tpu.memory_space<vmem>>)
    "tpu.region"() ({
      %run_scoped3A = tpu.sem_alloc : memref<!tpu.dma_semaphore, #tpu.memory_space<semaphore_mem>>
      %dma_start3A_73 = arith.constant 0 : i32
      %dma_start3A_74 = arith.constant 0 : i32
      %dma_start3A_75 = tpu.memref_slice %arg14[%dma_start3A_73, %dma_start3A_74] : memref<10240x128xf32, #tpu.memory_space<vmem_shared>> -> memref<10240x128xf32, #tpu.memory_space<vmem_shared>>
      tpu.enqueue_indirect_dma source(%arg12 : memref<80x128xf32, #tpu.memory_space<vmem>>) target(%dma_start3A_75 : memref<10240x128xf32, #tpu.memory_space<vmem_shared>>) offsets(%arg9 : memref<80xi32, #tpu.memory_space<vmem>>) semaphore(%run_scoped3A : memref<!tpu.dma_semaphore, #tpu.memory_space<semaphore_mem>>) {add = true}
      %dma_wait3A_76 = arith.constant 0 : i32
      %dma_wait3A_77 = arith.constant 0 : i32
      %dma_wait3A_78 = tpu.memref_slice %arg14[%dma_wait3A_76, %dma_wait3A_77] : memref<10240x128xf32, #tpu.memory_space<vmem_shared>> -> memref<10240x128xf32, #tpu.memory_space<vmem_shared>>
      tpu.wait_indirect_dma semaphore(%run_scoped3A : memref<!tpu.dma_semaphore, #tpu.memory_space<semaphore_mem>>) src(%arg12 : memref<80x128xf32, #tpu.memory_space<vmem>>) dst(%dma_wait3A_78 : memref<10240x128xf32, #tpu.memory_space<vmem_shared>>)
      tpu.yield
    }) : () -> ()
    %barrier3A_68 = arith.constant 0 : index
    tpu.barrier barrier_id(%barrier3A_68)
    %mul3A_69 = arith.constant 640 : i32
    %mul3A_70 = arith.muli %arg1, %mul3A_69 : i32
    %mul3A_71 = arith.constant 640 : i32
    %mul3A_72 = arith.muli %arg1, %mul3A_71 : i32
    "tpu.region"() ({
      %run_scoped3A = tpu.sem_alloc : memref<!tpu.dma_semaphore, #tpu.memory_space<semaphore_mem>>
      %dma_start3A_73 = arith.constant 0 : i32
      %dma_start3A_74 = tpu.memref_slice %arg6[%arg0, %mul3A_72, %dma_start3A_73] : memref<2x10240x128xf32, #tpu.memory_space<hbm>> -> memref<1x640x128xf32, #tpu.memory_space<hbm>>
      %dma_start3A_75 = tpu.memref_squeeze %dma_start3A_74 : memref<1x640x128xf32, #tpu.memory_space<hbm>> -> memref<640x128xf32, #tpu.memory_space<hbm>>
      %dma_start3A_76 = arith.constant 0 : i32
      %dma_start3A_77 = tpu.memref_slice %arg14[%mul3A_70, %dma_start3A_76] : memref<10240x128xf32, #tpu.memory_space<vmem_shared>> -> memref<640x128xf32, #tpu.memory_space<vmem_shared>>
      tpu.enqueue_dma source(%dma_start3A_77 : memref<640x128xf32, #tpu.memory_space<vmem_shared>>) target(%dma_start3A_75 : memref<640x128xf32, #tpu.memory_space<hbm>>) target_semaphore(%run_scoped3A : memref<!tpu.dma_semaphore, #tpu.memory_space<semaphore_mem>>)
      %dma_wait3A_78 = arith.constant 0 : i32
      %dma_wait3A_79 = tpu.memref_slice %arg6[%arg0, %mul3A_72, %dma_wait3A_78] : memref<2x10240x128xf32, #tpu.memory_space<hbm>> -> memref<1x640x128xf32, #tpu.memory_space<hbm>>
      %dma_wait3A_80 = tpu.memref_squeeze %dma_wait3A_79 : memref<1x640x128xf32, #tpu.memory_space<hbm>> -> memref<640x128xf32, #tpu.memory_space<hbm>>
      %dma_wait3A_81 = arith.constant 0 : i32
      %dma_wait3A_82 = tpu.memref_slice %arg14[%mul3A_70, %dma_wait3A_81] : memref<10240x128xf32, #tpu.memory_space<vmem_shared>> -> memref<640x128xf32, #tpu.memory_space<vmem_shared>>
      tpu.wait_dma2 semaphore(%run_scoped3A : memref<!tpu.dma_semaphore, #tpu.memory_space<semaphore_mem>>) src(%dma_wait3A_82 : memref<640x128xf32, #tpu.memory_space<vmem_shared>>) dst(%dma_wait3A_80 : memref<640x128xf32, #tpu.memory_space<hbm>>)
      tpu.yield
    }) : () -> ()
    return
  }
}

module attributes {stable_mosaic.version = 14 : i64} {
  func.func @_lin_body(%arg0: memref<10000x128xf32, #tpu.memory_space<vmem>>, %arg1: memref<128x128xf32, #tpu.memory_space<vmem>>, %arg2: memref<2x10240x128xf32, #tpu.memory_space<vmem>>, %arg3: memref<10000x128xf32, #tpu.memory_space<vmem>>, %arg4: memref<10000x1xf32, #tpu.memory_space<vmem>>) attributes {dimension_semantics = [], scalar_prefetch = 0 : i64, scratch_operands = 0 : i64, tpu.core_type = #tpu.core_type<tc>} {
    %get3A = arith.constant 0 : index
    %get3A_0 = arith.constant 0 : index
    %get3A_1 = arith.constant 0 : index
    %get3A_2 = vector.load %arg2[%get3A, %get3A_0, %get3A_1] : memref<2x10240x128xf32, #tpu.memory_space<vmem>>, vector<1x10000x1xf32>
    %get3A_3 = vector.shape_cast %get3A_2 : vector<1x10000x1xf32> to vector<10000x1xf32>
    %get3A_4 = arith.constant 1 : index
    %get3A_5 = arith.constant 0 : index
    %get3A_6 = arith.constant 0 : index
    %get3A_7 = vector.load %arg2[%get3A_4, %get3A_5, %get3A_6] : memref<2x10240x128xf32, #tpu.memory_space<vmem>>, vector<1x10000x1xf32>
    %get3A_8 = vector.shape_cast %get3A_7 : vector<1x10000x1xf32> to vector<10000x1xf32>
    %add3A = arith.addf %get3A_3, %get3A_8 : vector<10000x1xf32>
    %add3A_9 = arith.constant 1.000000e+00 : f32
    %add3A_10 = vector.broadcast %add3A_9 : f32 to vector<10000x1xf32>
    %add3A_11 = arith.addf %add3A, %add3A_10 : vector<10000x1xf32>
    %rsqrt3A = math.rsqrt %add3A_11 : vector<10000x1xf32>
    %swap3A = arith.constant 0 : index
    %swap3A_12 = arith.constant 0 : index
    %swap3A_13 = vector.load %arg4[%swap3A, %swap3A_12] : memref<10000x1xf32, #tpu.memory_space<vmem>>, vector<10000x1xf32>
    tpu.vector_store %arg4[%swap3A, %swap3A_12], %rsqrt3A {strides = array<i32>} : memref<10000x1xf32, #tpu.memory_space<vmem>>, vector<10000x1xf32>,
    %get3A_14 = arith.constant 0 : index
    %get3A_15 = arith.constant 0 : index
    %get3A_16 = vector.load %arg0[%get3A_14, %get3A_15] : memref<10000x128xf32, #tpu.memory_space<vmem>>, vector<10000x128xf32>
    %get3A_17 = arith.constant 0 : index
    %get3A_18 = arith.constant 0 : index
    %get3A_19 = vector.load %arg1[%get3A_17, %get3A_18] : memref<128x128xf32, #tpu.memory_space<vmem>>, vector<128x128xf32>
    %dot_general3A = arith.constant dense<0.000000e+00> : vector<10000x128xf32>
    %dot_general3A_20 = tpu.matmul %get3A_16, %get3A_19, %dot_general3A {dimension_numbers = #tpu.dot_dimension_numbers<[1], [0], [0], [1], [0, 0, 1, 1], [], []>, transpose_lhs_hint = false} : vector<10000x128xf32>, vector<128x128xf32>, vector<10000x128xf32> -> vector<10000x128xf32>
    %mul3A = vector.broadcast %rsqrt3A : vector<10000x1xf32> to vector<10000x128xf32>
    %mul3A_21 = arith.mulf %dot_general3A_20, %mul3A : vector<10000x128xf32>
    %swap3A_22 = arith.constant 0 : index
    %swap3A_23 = arith.constant 0 : index
    %swap3A_24 = vector.load %arg3[%swap3A_22, %swap3A_23] : memref<10000x128xf32, #tpu.memory_space<vmem>>, vector<10000x128xf32>
    tpu.vector_store %arg3[%swap3A_22, %swap3A_23], %mul3A_21 {strides = array<i32>} : memref<10000x128xf32, #tpu.memory_space<vmem>>, vector<10000x128xf32>,
    return
  }
}

module attributes {stable_mosaic.version = 14 : i64} {
  func.func @_mid_body(%arg0: memref<2x10240x128xf32, #tpu.memory_space<vmem>>, %arg1: memref<10000x128xf32, #tpu.memory_space<vmem>>, %arg2: memref<10000x1xf32, #tpu.memory_space<vmem>>, %arg3: memref<1x128xf32, #tpu.memory_space<vmem>>, %arg4: memref<128x128xf32, #tpu.memory_space<vmem>>, %arg5: memref<10000x128xf32, #tpu.memory_space<vmem>>) attributes {dimension_semantics = [], scalar_prefetch = 0 : i64, scratch_operands = 0 : i64, tpu.core_type = #tpu.core_type<tc>} {
    %get3A = arith.constant 0 : index
    %get3A_0 = arith.constant 0 : index
    %get3A_1 = arith.constant 0 : index
    %get3A_2 = vector.load %arg0[%get3A, %get3A_0, %get3A_1] : memref<2x10240x128xf32, #tpu.memory_space<vmem>>, vector<1x10000x128xf32>
    %get3A_3 = vector.shape_cast %get3A_2 : vector<1x10000x128xf32> to vector<10000x128xf32>
    %get3A_4 = arith.constant 1 : index
    %get3A_5 = arith.constant 0 : index
    %get3A_6 = arith.constant 0 : index
    %get3A_7 = vector.load %arg0[%get3A_4, %get3A_5, %get3A_6] : memref<2x10240x128xf32, #tpu.memory_space<vmem>>, vector<1x10000x128xf32>
    %get3A_8 = vector.shape_cast %get3A_7 : vector<1x10000x128xf32> to vector<10000x128xf32>
    %add3A = arith.addf %get3A_3, %get3A_8 : vector<10000x128xf32>
    %get3A_9 = arith.constant 0 : index
    %get3A_10 = arith.constant 0 : index
    %get3A_11 = vector.load %arg2[%get3A_9, %get3A_10] : memref<10000x1xf32, #tpu.memory_space<vmem>>, vector<10000x1xf32>
    %get3A_12 = arith.constant 0 : index
    %get3A_13 = arith.constant 0 : index
    %get3A_14 = vector.load %arg1[%get3A_12, %get3A_13] : memref<10000x128xf32, #tpu.memory_space<vmem>>, vector<10000x128xf32>
    %add3A_15 = arith.addf %add3A, %get3A_14 : vector<10000x128xf32>
    %mul3A = vector.broadcast %get3A_11 : vector<10000x1xf32> to vector<10000x128xf32>
    %mul3A_16 = arith.mulf %mul3A, %add3A_15 : vector<10000x128xf32>
    %get3A_17 = arith.constant 0 : index
    %get3A_18 = arith.constant 0 : index
    %get3A_19 = vector.load %arg3[%get3A_17, %get3A_18] : memref<1x128xf32, #tpu.memory_space<vmem>>, vector<1x128xf32>
    %add3A_20 = vector.broadcast %get3A_19 : vector<1x128xf32> to vector<10000x128xf32>
    %add3A_21 = arith.addf %mul3A_16, %add3A_20 : vector<10000x128xf32>
    %max3A = arith.constant 0.000000e+00 : f32
    %max3A_22 = vector.broadcast %max3A : f32 to vector<10000x128xf32>
    %max3A_23 = arith.maximumf %add3A_21, %max3A_22 : vector<10000x128xf32>
    %get3A_24 = arith.constant 0 : index
    %get3A_25 = arith.constant 0 : index
    %get3A_26 = vector.load %arg4[%get3A_24, %get3A_25] : memref<128x128xf32, #tpu.memory_space<vmem>>, vector<128x128xf32>
    %dot_general3A = arith.constant dense<0.000000e+00> : vector<10000x128xf32>
    %dot_general3A_27 = tpu.matmul %max3A_23, %get3A_26, %dot_general3A {dimension_numbers = #tpu.dot_dimension_numbers<[1], [0], [0], [1], [0, 0, 1, 1], [], []>, transpose_lhs_hint = false} : vector<10000x128xf32>, vector<128x128xf32>, vector<10000x128xf32> -> vector<10000x128xf32>
    %get3A_28 = arith.constant 0 : index
    %get3A_29 = arith.constant 0 : index
    %get3A_30 = vector.load %arg2[%get3A_28, %get3A_29] : memref<10000x1xf32, #tpu.memory_space<vmem>>, vector<10000x1xf32>
    %mul3A_31 = vector.broadcast %get3A_30 : vector<10000x1xf32> to vector<10000x128xf32>
    %mul3A_32 = arith.mulf %dot_general3A_27, %mul3A_31 : vector<10000x128xf32>
    %swap3A = arith.constant 0 : index
    %swap3A_33 = arith.constant 0 : index
    %swap3A_34 = vector.load %arg5[%swap3A, %swap3A_33] : memref<10000x128xf32, #tpu.memory_space<vmem>>, vector<10000x128xf32>
    tpu.vector_store %arg5[%swap3A, %swap3A_33], %mul3A_32 {strides = array<i32>} : memref<10000x128xf32, #tpu.memory_space<vmem>>, vector<10000x128xf32>,
    return
  }
}

module attributes {stable_mosaic.version = 14 : i64} {
  func.func @_fin_body(%arg0: memref<2x10240x128xf32, #tpu.memory_space<vmem>>, %arg1: memref<10000x128xf32, #tpu.memory_space<vmem>>, %arg2: memref<10000x1xf32, #tpu.memory_space<vmem>>, %arg3: memref<1x128xf32, #tpu.memory_space<vmem>>, %arg4: memref<10000x128xf32, #tpu.memory_space<vmem>>) attributes {dimension_semantics = [], scalar_prefetch = 0 : i64, scratch_operands = 0 : i64, tpu.core_type = #tpu.core_type<tc>} {
    %get3A = arith.constant 0 : index
    %get3A_0 = arith.constant 0 : index
    %get3A_1 = arith.constant 0 : index
    %get3A_2 = vector.load %arg0[%get3A, %get3A_0, %get3A_1] : memref<2x10240x128xf32, #tpu.memory_space<vmem>>, vector<1x10000x128xf32>
    %get3A_3 = vector.shape_cast %get3A_2 : vector<1x10000x128xf32> to vector<10000x128xf32>
    %get3A_4 = arith.constant 1 : index
    %get3A_5 = arith.constant 0 : index
    %get3A_6 = arith.constant 0 : index
    %get3A_7 = vector.load %arg0[%get3A_4, %get3A_5, %get3A_6] : memref<2x10240x128xf32, #tpu.memory_space<vmem>>, vector<1x10000x128xf32>
    %get3A_8 = vector.shape_cast %get3A_7 : vector<1x10000x128xf32> to vector<10000x128xf32>
    %add3A = arith.addf %get3A_3, %get3A_8 : vector<10000x128xf32>
    %get3A_9 = arith.constant 0 : index
    %get3A_10 = arith.constant 0 : index
    %get3A_11 = vector.load %arg2[%get3A_9, %get3A_10] : memref<10000x1xf32, #tpu.memory_space<vmem>>, vector<10000x1xf32>
    %get3A_12 = arith.constant 0 : index
    %get3A_13 = arith.constant 0 : index
    %get3A_14 = vector.load %arg1[%get3A_12, %get3A_13] : memref<10000x128xf32, #tpu.memory_space<vmem>>, vector<10000x128xf32>
    %add3A_15 = arith.addf %add3A, %get3A_14 : vector<10000x128xf32>
    %mul3A = vector.broadcast %get3A_11 : vector<10000x1xf32> to vector<10000x128xf32>
    %mul3A_16 = arith.mulf %mul3A, %add3A_15 : vector<10000x128xf32>
    %get3A_17 = arith.constant 0 : index
    %get3A_18 = arith.constant 0 : index
    %get3A_19 = vector.load %arg3[%get3A_17, %get3A_18] : memref<1x128xf32, #tpu.memory_space<vmem>>, vector<1x128xf32>
    %add3A_20 = vector.broadcast %get3A_19 : vector<1x128xf32> to vector<10000x128xf32>
    %add3A_21 = arith.addf %mul3A_16, %add3A_20 : vector<10000x128xf32>
    %swap3A = arith.constant 0 : index
    %swap3A_22 = arith.constant 0 : index
    %swap3A_23 = vector.load %arg4[%swap3A, %swap3A_22] : memref<10000x128xf32, #tpu.memory_space<vmem>>, vector<10000x128xf32>
    tpu.vector_store %arg4[%swap3A, %swap3A_22], %add3A_21 {strides = array<i32>} : memref<10000x128xf32, #tpu.memory_space<vmem>>, vector<10000x128xf32>,
    return
  }
}

</mosaic_0001>

<sc_bundles>
// kernel: kernel.11.cloned.1.call-start
scs
__scs_entry_jumppad:
0x0: {  	(pc) =	sbr.rel $0x88, $3  }
0x1: {  	(tag) =	ssettag $0x0;
	lr =	simm.s32 $0x1  }
0x2: {  	[smem:$0x3F9B] =	sst lr;
	_ =	strace $0xD0000000  }
0x3: {  	_ = 	snop  }
0x4: {  	_ = 	snop  }
0x5: {  	_ = 	snop  }
0x6: {  	_ = 	snop  }
0x7: {  	_ = 	snop  }
__scs_overlays_trampoline_lowered:
0x8: {  	[smem:$0x3FAA] =	sst s0  }
0x9: {  	[smem:$0x3FAB] =	sst s1  }
0xa: {  	[smem:$0x3FAC] =	sst s2  }
0xb: {  	[smem:$0x3FAD] =	sst s3  }
0xc: {  	[smem:$0x3FAE] =	sst s4  }
0xd: {  	[smem:$0x3FAF] =	sst s5  }
0xe: {  	[smem:$0x3FB0] =	sst s6  }
0xf: {  	[smem:$0x3FB1] =	sst s7  }
0x10: {  	[smem:$0x3FB2] =	sst s8  }
0x11: {  	[smem:$0x3FB3] =	sst s9;
	s0 =	simm.s32 @!p0 $0x0  }
0x12: {  	s1 =	sld [smem:$0x3F99];
	s0 =	simm.s32 @p0 $0x1  }
0x13: {  	[smem:$0x3FB4] =	sst s0;
	s0 =	simm.s32 @!p1 $0x0  }
0x14: {  	s2 =	sld [smem:$0x3F98];
	s0 =	simm.s32 @p1 $0x1  }
0x15: {  	[smem:$0x3FB5] =	sst s0;
	s0 =	simm.s32 @!p2 $0x0  }
0x16: {  	s3 =	sld [smem:$0x3FDB];
	s0 =	simm.s32 @p2 $0x1  }
0x17: {  	s4 =	simm.s32 $0x1BF5;
	[smem:$0x3FB7] =	sst s0  }
0x18: {  	s0 =	sld [smem:$0x3F9A];
	_ =	swait.ge [sflag:s4], $0x0  }
0x19: {  	s7 =	sld [smem:$0x3F9B]  }
0x1a: {  	s8 =	sadd.s32 $0xFFFFE003, lr  }
0x1b: {  	s9 =	sadd.s32 $0xFFFFFEF7, lr;
	s5 =	simm.s32 $0xFFFFFFFF;
	p2 =	slt.u32 s8, $0xFFFFF086  }
0x1c: {  	p1 =	slt.u32 s9, $0xF7A;
	s5 =	simm.s32 @!p2 $0x0  }
0x1d: {  	s5 =	simm.s32 @p1 $0x1;
	p0 =	seq.s32 s7, s2  }
0x1e: {  	s7 =	smul.u32 @!p0 $0xF7A, s2;
	p2 =	seq.s32 @!p0 s5, $0x0  }
0x1f: {  	s9 =	smul.u32 $0xF7A, s1;
	s8 =	simm.s32 @!p0 $0x1BF5;
	p2 =	por !p2, p0  }
0x20: {  	[sflag:s8] =	ssyncset.s32 @!p0 $0xFFFFF086;
	s6 =	sadd.s32 @!p0 s3, s7;
	s7 =	simm.s32 @!p0 $0x108  }
0x21: {  	s3 =	sadd.s32 s3, s9;
	s6 =	sadd.s32 @!p0 $0x88, s6;
	s7 =	simm.s32 @p2 $0x1082  }
0x22: {  	[simem:s7], [sflag:s8] =	dma.local @!p0 [hbm:s6], $0xF7A  }
0x23: {  	s9 =	sor.u32 $0xD0000000, s2;
	s6 =	simm.s32 $0x108;
	_ =	swait.ge @!p0 [sflag:s8], $0x0  }
0x24: {  	s3 =	sadd.s32 $0x88, s3;
	s6 =	simm.s32 @!p1 $0x1082;
	[sflag:s4] =	ssyncset.s32 $0xFFFFF086  }
0x25: {  	[simem:s6], [sflag:s4] =	dma.local [hbm:s3], $0xF7A  }
0x26: {  	[smem:$0x3F9B] =	sst s1;
	(tag) =	ssettag s2;
	_ =	strace s9  }
0x27: {  	s1 =	sld [smem:$0x3FAB]  }
0x28: {  	s2 =	sld [smem:$0x3FAC]  }
0x29: {  	s4 =	sld [smem:$0x3FAE]  }
0x2a: {  	p0 =	seq.s32 s5, $0x0;
	s5 =	sld [smem:$0x3FAF]  }
0x2b: {  	s6 =	sld [smem:$0x3FB0]  }
0x2c: {  	s7 =	sld [smem:$0x3FB1]  }
0x2d: {  	s3 =	simm.s32 $0x108;
	s8 =	sld [smem:$0x3FB2]  }
0x2e: {  	s3 =	simm.s32 @!p0 $0x1082;
	s9 =	sld [smem:$0x3FB3]  }
0x2f: {  	lr =	sadd.s32 s0, s3;
	s0 =	sld [smem:$0x3FAA]  }
0x30: {  	s3 =	sld [smem:$0x3FAD]  }
0x31: {  	[smem:$0x3FB6] =	sst s10  }
0x32: {  	s10 =	sld [smem:$0x3FB4];
	_ =	sdelay $0x3  }
0x33: {  	p0 =	seq.s32 s10, $0x1;
	s10 =	sld [smem:$0x3FB6];
	_ =	sdelay $0x3  }
0x34: {  	[smem:$0x3FB6] =	sst s10  }
0x35: {  	s10 =	sld [smem:$0x3FB5];
	_ =	sdelay $0x3  }
0x36: {  	p1 =	seq.s32 s10, $0x1;
	s10 =	sld [smem:$0x3FB6];
	_ =	sdelay $0x3  }
0x37: {  	[smem:$0x3FB6] =	sst s10  }
0x38: {  	s10 =	sld [smem:$0x3FB7]  }
0x39: {  	_ = 	snop;
	(pc) =	sbr.ind lr, $3  }
0x3a: {  	_ = 	snop  }
0x3b: {  	_ = 	snop  }
0x3c: {  	p2 =	seq.s32 s10, $0x1;
	s10 =	sld [smem:$0x3FB6]  }
0x3d: {  	_ =	shalt  }
0x3e: {  	_ =	shalt  }
0x3f: {  	_ =	shalt  }
0x40: {  	_ =	shalt  }
0x41: {  	_ =	shalt  }
0x42: {  	_ =	shalt  }
0x43: {  	_ =	shalt  }
0x44: {  	_ =	shalt  }
0x45: {  	_ =	shalt  }
0x46: {  	_ =	shalt  }
0x47: {  	_ =	shalt  }
0x48: {  	_ =	shalt  }
0x49: {  	_ =	shalt  }
0x4a: {  	_ =	shalt  }
0x4b: {  	_ =	shalt  }
0x4c: {  	_ =	shalt  }
0x4d: {  	_ =	shalt  }
0x4e: {  	_ =	shalt  }
0x4f: {  	_ =	shalt  }
0x50: {  	_ =	shalt  }
0x51: {  	_ =	shalt  }
0x52: {  	_ =	shalt  }
0x53: {  	_ =	shalt  }
0x54: {  	_ =	shalt  }
0x55: {  	_ =	shalt  }
0x56: {  	_ =	shalt  }
0x57: {  	_ =	shalt  }
0x58: {  	_ =	shalt  }
0x59: {  	_ =	shalt  }
0x5a: {  	_ =	shalt  }
0x5b: {  	_ =	shalt  }
0x5c: {  	_ =	shalt  }
0x5d: {  	_ =	shalt  }
0x5e: {  	_ =	shalt  }
0x5f: {  	_ =	shalt  }
0x60: {  	_ =	shalt  }
0x61: {  	_ =	shalt  }
0x62: {  	_ =	shalt  }
0x63: {  	_ =	shalt  }
0x64: {  	_ =	shalt  }
0x65: {  	_ =	shalt  }
0x66: {  	_ =	shalt  }
0x67: {  	_ =	shalt  }
0x68: {  	_ =	shalt  }
0x69: {  	_ =	shalt  }
0x6a: {  	_ =	shalt  }
0x6b: {  	_ =	shalt  }
0x6c: {  	_ =	shalt  }
0x6d: {  	_ =	shalt  }
0x6e: {  	_ =	shalt  }
0x6f: {  	_ =	shalt  }
0x70: {  	_ =	shalt  }
0x71: {  	_ =	shalt  }
0x72: {  	_ =	shalt  }
0x73: {  	_ =	shalt  }
0x74: {  	_ =	shalt  }
0x75: {  	_ =	shalt  }
0x76: {  	_ =	shalt  }
0x77: {  	_ =	shalt  }
0x78: {  	_ =	shalt  }
0x79: {  	_ =	shalt  }
0x7a: {  	_ =	shalt  }
0x7b: {  	_ =	shalt  }
0x7c: {  	_ =	shalt  }
0x7d: {  	_ =	shalt  }
0x7e: {  	_ =	shalt  }
0x7f: {  	_ =	shalt  }
0x80: {  	_ =	shalt  }
0x81: {  	_ =	shalt  }
0x82: {  	_ =	shalt  }
0x83: {  	_ =	shalt  }
0x84: {  	_ =	shalt  }
0x85: {  	_ =	shalt  }
0x86: {  	_ =	shalt  }
0x87: {  	_ =	shalt  }
.Lfunc_end0:
.L_simem_size_0:
called_computation.1_lowered:
.L_overlay_start_0:
0x88: {  	s2 =	sld [smem:$0x3FD9]  }
0x89: {  	s3 =	sld [smem:$0x3FFE];
	_ =	sdelay $0x1  }
0x8a: {  	s1 =	srdreg.scid  }
0x8b: {  	s0 =	sand.u32 $0x1, s1  }
0x8c: {  	s17 =	sshll.u32 s0, $0xA;
	s2 =	sadd.s32 s3, s2  }
0x8d: {  	s2 =	sadd.s32 s2, s17  }
0x8e: {  	[smem:$0x3FC2] =	sst s2  }
0x8f: {  	_ = 	snop  }
0x90: {  	s2 =	sld [smem:$0x3FD0];
	(tm) =	ssettm $0x1  }
0x91: {  	s18 =	sld [smem:$0x3FFB];
	_ =	sdelay $0x3  }
0x92: {  	_ =	strace s18  }
0x93: {  	s3 =	sld [smem:$0x3FFC];
	_ =	sdelay $0x3  }
0x94: {  	_ =	strace s3  }
0x95: {  	s3 =	sld [smem:$0x3FFD];
	_ =	sdelay $0x3  }
0x96: {  	_ =	strace s3  }
0x97: {  	_ =	strace $0x8FFFFFFF  }
0x98: {  	s19 =	sld [smem:$0x3FDB];
	_ =	sdelay $0x1  }
0x99: {  	s4 =	simm.s32 $_scs_section_size  }
0x9a: {  	s5 =	simm.s32 $_size__tile_overlayer_lowered;
	s6 =	simm.s32 $_tile_overlayer_lowered  }
0x9b: {  	s22 =	simm.s32 $0x1BFF;
	s21 =	sshll.u32 s6, $0x1;
	s3 =	sadd.s32 s4, s19  }
0x9c: {  	s7 =	simm.s32 $0x0;
	s20 =	sshll.u32 s5, $0x1;
	s5 =	sadd.s32 s21, s3  }
0x9d: {  	[timem:s7], [sflag:s22] =	dma.local [hbm:s5], s20  }
0x9e: {  	_ =	swait.ge [sflag:s22], s20  }
0x9f: {  	s4 =	ssub.s32 $0x0, s20;
	[sflag:s22] =	ssyncset.done $0x0  }
0xa0: {  	[sflag:s22] =	ssyncadd.s32 s4;
	_ =	sdelay $0x1  }
0xa1: {  	s23 =	simm.s32 $0x1B8B  }
0xa2: {  	_ =	swait.ge [sflag:s23], $0x1  }
0xa3: {  	[sflag:s23] =	ssyncset.done $0x0  }
0xa4: {  	s25 =	simm.s32 $0x1B8E;
	s24 =	sld [smem:$0x3FFE];
	[sflag:s23] =	ssyncadd.s32 $0xFFFFFFFF  }
0xa5: {  	s26 =	simm.s32 $execute0_lowered;
	[smem:$0x3FD2] =	sst s25  }
0xa6: {  	s5 =	sshll.u32 s26, $0x1;
	_ =	strace $0x80000049;
	[dreg:$0x1] =	wrdreg $0xFFFFFFFF  }
0xa7: {  	s28 =	simm.s32 $_size_execute0_lowered;
	s3 =	sadd.s32 s3, s5;
	[dreg:$0x0] =	wrdreg $0x0  }
0xa8: {  	s5 =	sshll.u32 s28, $0x1;
	[dreg:$0x2] =	wrdreg s3  }
0xa9: {  	[dreg:$0x3] =	wrdreg s5  }
0xaa: {  	[dreg:$0x4] =	wrdreg $0xC0  }
0xab: {  	_ =	task [dreg:s7], $0x5FFFF  }
0xac: {  	[dreg:$0x1] =	wrdreg $0xFFFFFFFF  }
0xad: {  	[dreg:$0x0] =	wrdreg $0x60  }
0xae: {  	[dreg:$0x2] =	wrdreg s2  }
0xaf: {  	[dreg:$0x3] =	wrdreg s24  }
0xb0: {  	[dreg:$0x4] =	wrdreg $0xA1000  }
0xb1: {  	[dreg:$0x5] =	wrdreg $0x9  }
0xb2: {  	_ =	task.clear_ibuf [dreg:s7], $0x6FFFF;
	_ =	strace $0x90000049  }
0xb3: {  	s29 =	simm.s32 $0x9;
	_ =	strace $0x8000004B  }
0xb4: {  	_ =	swait.ge [sflag:s29], $0x1  }
0xb5: {  	[sflag:s29] =	ssyncadd.s32 $0xFFFFFFFF  }
0xb6: {  	_ =	strace $0x9000004B  }
0xb7: {  	_ =	sfence  }
0xb8: {  	s30 =	sld [smem:$0x0];
	_ =	sdelay $0x2  }
0xb9: {  	s31 =	sshll.u32 s1, $0xD;
	s1 =	sshrl.u32 s1, $0x2  }
0xba: {  	s3 =	sand.u32 $0x4000, s31;
	s1 =	sadd.s32 s1, s30  }
0xbb: {  	s0 =	sor.u32 s3, s0;
	s1 =	sshll.u32 s1, $0x11  }
0xbc: {  	s0 =	sor.u32 s1, s0  }
0xbd: {  	s0 =	sadd.s32 $0x8F2B, s0  }
0xbe: {  	[sflag:s0] =	ssyncadd.remote.s32 $0x1  }
0xbf: {  	_ =	sfence.sel $0xFFFF  }
0xc0: {  	[dreg:$0x0] =	wrdreg $0xFFFFFFFF;
	(pc) =	sbr.abs _section_cstart, $3  }
0xc1: {  	[dreg:$0x1] =	wrdreg $0xFFFFFFFF  }
0xc2: {  	_ =	task.clear_ibuf [dreg:s7], $0x2FFFF;
	_ =	strace $0x9FFFFFFF  }
0xc3: {  	(tm) =	ssettm $0x7FFFFFFF  }
tec
execute0_lowered:
.L_overlay_start_1:
0x0: {  	(tag) =	ssettag $0x1  }
0x1: {  	s0 =	srdreg.scid;
	s1 =	rddreg [dreg:$0x0]  }
0x2: {  	s14 =	stileid.u32;
	s7 =	rddreg [dreg:$0x1]  }
0x3: {  	s3 =	rddreg [dreg:$0x2];
	s4 =	simm.s32 $0x0;
	s17 =	simm.s32 $0x50  }
0x4: {  	s18 =	simm.s32 $0x2900;
	s19 =	simm.s32 $0x2780;
	s20 =	simm.s32 $0x5100  }
0x5: {  	s28 =	simm.s32 $0x2;
	s29 =	simm.s32 $0x5;
	s30 =	simm.s32 $0x3  }
0x6: {  	s31 =	simm.s32 $0x6;
	s0 =	sand.u32 $0x1, s0;
	s8 =	smul.u32 $0x14000, s14  }
0x7: {  	[smem:$0x7FF] =	sst s4;
	s10 =	smul.u32 $0x50000, s14;
	s21 =	sadd.s32 $0x1C400, s7  }
0x8: {  	s26 =	sshll.u32 s14, $0x6;
	s2 =	sshll.u32 s0, $0x4;
	s6 =	smul.u32 $0x140000, s0  }
0x9: {  	_ =	strace $0x8000004A;
	s0 =	ssub.s32 $0x2, s0;
	[dreg:$0x4] =	wrdreg s21  }
0xa: {  	s15 =	sor.u32 $0x1C07, s26;
	s21 =	simm.s32 $0x2800;
	s26 =	simm.s32 $0x4  }
0xb: {  	s2 =	sor.u32 s14, s2;
	s22 =	sshrl.u32 s0, $0x1;
	s23 =	sshrl.u32 s10, $0x2  }
0xc: {  	s14 =	simm.s32 $0x7;
	s5 =	smul.u32 $0x4E2, s2;
	s6 =	sadd.s32 s8, s6  }
0xd: {  	s0 =	ssub.s32 s0, s22;
	s24 =	sshll.u32 s2, $0xB;
	s16 =	sadd.s32 s23, s3  }
0xe: {  	s23 =	simm.s32 $0x7900;
	s8 =	sshrl.u32 s6, $0x3;
	s13 =	smax.u32 s0, $0x1  }
.Ltmp0:
0xf: {  	s16 =	sshrl.u32 s16, $0x3;
	s9 =	sadd.s32 s5, s7;
	(pc) =	sbr.rel .LBB2_1-.Ltmp0, $4  }
0x10: {  	s5 =	sadd.s32 $0xC400, s7;
	s12 =	sadd.s32 s8, s7;
	s25 =	sadd.s32 $0x2600, s9  }
0x11: {  	s8 =	sadd.s32 s5, s24;
	s9 =	sshll.u32 s2, $0xE;
	s12 =	sadd.s32 $0x1EC00, s12  }
0x12: {  	s24 =	simm.s32 $0x2880;
	s2 =	simm.s32 $0x0;
	[dreg:$0x5] =	wrdreg s25  }
0x13: {  	s10 =	sadd.s32 $0x10, s8;
	s11 =	sadd.s32 $0x20, s8;
	s25 =	simm.s32 $0x1  }
.LBB2_4:
0x14: {  	_ =	swait.ge [sflag:s25], $0x2800  }
0x15: {  	[sflag:s25] =	ssyncset.done $0x0  }
0x16: {  	[sflag:s25] =	ssyncadd.s32 $0xFFFFD800  }
0x17: {  	_ =	swait.ge [sflag:s26], $0x80  }
0x18: {  	[sflag:s26] =	ssyncset.done $0x0  }
0x19: {  	[sflag:s26] =	ssyncadd.s32 $0xFFFFFF80  }
0x1a: {  	[spmem:s3] =	stream.indirect.scatter.add.f32 [tilespmem:s18], [sflag:$0x7], $0x80, s19, s17, $0xb8;
	[tilespmem:$0x1E100] =	vst v63  }
0x1b: {  	_ =	swait.ge [sflag:s14], $0x2800  }
0x1c: {  	[sflag:s14] =	ssyncset.done $0x0  }
0x1d: {  	[sflag:s14] =	ssyncadd.s32 $0xFFFFD800  }
0x1e: {  	_ =	swait.ge [sflag:s28], $0x2800  }
0x1f: {  	[sflag:s28] =	ssyncset.done $0x0  }
0x20: {  	[sflag:s28] =	ssyncadd.s32 $0xFFFFD800  }
0x21: {  	_ =	swait.ge [sflag:s29], $0x80  }
0x22: {  	[sflag:s29] =	ssyncset.done $0x0  }
0x23: {  	[sflag:s29] =	ssyncadd.s32 $0xFFFFFF80  }
0x24: {  	[spmem:s3] =	stream.indirect.scatter.add.f32 [tilespmem:s20], [sflag:$0x7], $0x80, s21, s17, $0xb8;
	[tilespmem:$0x1E100] =	vst v63  }
0x25: {  	_ =	swait.ge [sflag:s14], $0x2800  }
0x26: {  	s2 =	sadd.s32 $0x1, s2;
	[sflag:s14] =	ssyncset.done $0x0  }
0x27: {  	p0 =	sne.s32 s2, s13;
	[sflag:s14] =	ssyncadd.s32 $0xFFFFD800  }
.Ltmp1:
0x28: {  	[bflag:$0x0] =	sbarrier.arrive $0xFFFF;
	(pc) =	sbr.rel @!p0 .LBB2_5-.Ltmp1, $4  }
0x29: {  	[hbm:s12], [sflag:s15] =	dma.local [spmem:s16], $0x2800  }
0x2a: {  	_ =	swait.ge [sflag:s14], $0x2800  }
0x2b: {  	[sflag:s14] =	ssyncset.done $0x0  }
0x2c: {  	[sflag:s14] =	ssyncadd.s32 $0xFFFFD800  }
.LBB2_1:
0x2d: {  	s0 =	rddreg [dreg:$0x5]  }
0x2e: {  	[tilespmem:s4], [sflag:$0x7] =	stream.linear.gather [hbm4b:s0+s4], $0x2710, $0x38;
	[tilespmem:$0x1E100] =	vst v63  }
0x2f: {  	_ =	swait.ge [sflag:s14], $0x2710  }
0x30: {  	[sflag:s14] =	ssyncset.done $0x0  }
0x31: {  	s7 =	rddreg [dreg:$0x4];
	[sflag:s14] =	ssyncadd.s32 $0xFFFFD8F0  }
0x32: {  	[spmem:s16], [sflag:s15] =	dma.local [hbm:s7], $0x2800  }
0x33: {  	_ =	swait.ge [sflag:s14], $0x2800  }
0x34: {  	[sflag:s14] =	ssyncset.done $0x0  }
0x35: {  	[sflag:s14] =	ssyncadd.s32 $0xFFFFD800  }
0x36: {  	[bflag:$0x0] =	sbarrier.arrive $0xFFFF  }
0x37: {  	[tilespmem:s18], [sflag:$0x1] =	stream.indirect.gather [hbm4b:s1+s17], $0x80, s4, s17, $0xb8;
	[tilespmem:$0x1E100] =	vst v63  }
0x38: {  	_ = 	snop  }
0x39: {  	[tilespmem:s19], [sflag:$0x4] =	stream.linear.gather [hbm4b:s8+s4], $0x80, $0x38;
	[tilespmem:$0x1E100] =	vst v63  }
0x3a: {  	_ = 	snop  }
0x3b: {  	[tilespmem:s20], [sflag:$0x2] =	stream.indirect.gather [hbm4b:s1+s17], $0x80, s17, s17, $0xb8;
	[tilespmem:$0x1E100] =	vst v63  }
0x3c: {  	_ = 	snop  }
0x3d: {  	[tilespmem:s21], [sflag:$0x5] =	stream.linear.gather [hbm4b:s10+s4], $0x80, $0x38;
	[tilespmem:$0x1E100] =	vst v63  }
0x3e: {  	s22 =	simm.s32 $0xA0  }
0x3f: {  	[tilespmem:s23], [sflag:$0x3] =	stream.indirect.gather [hbm4b:s1+s17], $0x80, s22, s17, $0xb8;
	[tilespmem:$0x1E100] =	vst v63  }
0x40: {  	s0 =	simm.s32 $0x190;
	s22 =	simm.s32 $0x280  }
0x41: {  	[tilespmem:s24], [sflag:$0x6] =	stream.linear.gather [hbm4b:s11+s4], $0x80, $0x38;
	[tilespmem:$0x1E100] =	vst v63  }
.LBB2_2:
0x42: {  	_ =	swait.ge [sflag:s25], $0x2800  }
0x43: {  	[sflag:s25] =	ssyncset.done $0x0  }
0x44: {  	[sflag:s25] =	ssyncadd.s32 $0xFFFFD800  }
0x45: {  	_ =	swait.ge [sflag:s26], $0x80  }
0x46: {  	[sflag:s26] =	ssyncset.done $0x0  }
0x47: {  	[sflag:s26] =	ssyncadd.s32 $0xFFFFFF80  }
0x48: {  	[spmem:s3] =	stream.indirect.scatter.add.f32 [tilespmem:s18], [sflag:$0x7], $0x80, s19, s17, $0xb8;
	[tilespmem:$0x1E100] =	vst v63  }
0x49: {  	_ =	swait.ge [sflag:s14], $0x2800  }
0x4a: {  	[sflag:s14] =	ssyncset.done $0x0  }
0x4b: {  	s6 =	sadd.s32 $0xFFFFFF60, s0;
	[sflag:s14] =	ssyncadd.s32 $0xFFFFD800  }
0x4c: {  	[tilespmem:s18], [sflag:$0x1] =	stream.indirect.gather [hbm4b:s1+s17], $0x80, s6, s17, $0xb8;
	[tilespmem:$0x1E100] =	vst v63  }
0x4d: {  	s6 =	sadd.s32 $0xFFFFFF00, s22  }
0x4e: {  	s7 =	sand.u32 $0xFC00, s6  }
0x4f: {  	s6 =	sand.u32 $0x380, s6;
	s7 =	sadd.s32 s9, s7  }
0x50: {  	s6 =	sor.u32 s6, s7  }
0x51: {  	s6 =	sshrl.u32 s6, $0x3  }
0x52: {  	s6 =	sadd.s32 s5, s6  }
0x53: {  	[tilespmem:s19], [sflag:$0x4] =	stream.linear.gather [hbm4b:s6+s4], $0x80, $0x38;
	[tilespmem:$0x1E100] =	vst v63  }
0x54: {  	_ =	swait.ge [sflag:s28], $0x2800  }
0x55: {  	[sflag:s28] =	ssyncset.done $0x0  }
0x56: {  	[sflag:s28] =	ssyncadd.s32 $0xFFFFD800  }
0x57: {  	_ =	swait.ge [sflag:s29], $0x80  }
0x58: {  	[sflag:s29] =	ssyncset.done $0x0  }
0x59: {  	[sflag:s29] =	ssyncadd.s32 $0xFFFFFF80  }
0x5a: {  	[spmem:s3] =	stream.indirect.scatter.add.f32 [tilespmem:s20], [sflag:$0x7], $0x80, s21, s17, $0xb8;
	[tilespmem:$0x1E100] =	vst v63  }
0x5b: {  	_ =	swait.ge [sflag:s14], $0x2800  }
0x5c: {  	[sflag:s14] =	ssyncset.done $0x0  }
0x5d: {  	s7 =	sadd.s32 $0xFFFFFFB0, s0;
	s6 =	sadd.s32 $0xFFFFFF80, s22;
	[sflag:s14] =	ssyncadd.s32 $0xFFFFD800  }
0x5e: {  	[tilespmem:s20], [sflag:$0x2] =	stream.indirect.gather [hbm4b:s1+s17], $0x80, s7, s17, $0xb8;
	[tilespmem:$0x1E100] =	vst v63  }
0x5f: {  	s7 =	sand.u32 $0xFC00, s6  }
0x60: {  	s6 =	sand.u32 $0x380, s6;
	s7 =	sadd.s32 s9, s7  }
0x61: {  	s6 =	sor.u32 s6, s7  }
0x62: {  	s6 =	sshrl.u32 s6, $0x3  }
0x63: {  	s6 =	sadd.s32 s5, s6  }
0x64: {  	[tilespmem:s21], [sflag:$0x5] =	stream.linear.gather [hbm4b:s6+s4], $0x80, $0x38;
	[tilespmem:$0x1E100] =	vst v63  }
0x65: {  	_ =	swait.ge [sflag:s30], $0x2800  }
0x66: {  	[sflag:s30] =	ssyncset.done $0x0  }
0x67: {  	[sflag:s30] =	ssyncadd.s32 $0xFFFFD800  }
0x68: {  	_ =	swait.ge [sflag:s31], $0x80  }
0x69: {  	p0 =	seq.s32 s22, $0x3E80;
	[sflag:s31] =	ssyncset.done $0x0  }
.Ltmp2:
0x6a: {  	[sflag:s31] =	ssyncadd.s32 $0xFFFFFF80;
	(pc) =	sbr.rel @p0 .LBB2_4-.Ltmp2, $4  }
0x6b: {  	[spmem:s3] =	stream.indirect.scatter.add.f32 [tilespmem:s23], [sflag:$0x7], $0x80, s24, s17, $0xb8;
	[tilespmem:$0x1E100] =	vst v63  }
0x6c: {  	_ =	swait.ge [sflag:s14], $0x2800  }
0x6d: {  	[sflag:s14] =	ssyncset.done $0x0  }
0x6e: {  	[sflag:s14] =	ssyncadd.s32 $0xFFFFD800  }
0x6f: {  	[tilespmem:s23], [sflag:$0x3] =	stream.indirect.gather [hbm4b:s1+s17], $0x80, s0, s17, $0xb8;
	[tilespmem:$0x1E100] =	vst v63  }
0x70: {  	s6 =	sand.u32 $0xFC00, s22  }
.Ltmp3:
0x71: {  	s7 =	sand.u32 $0x380, s22;
	s6 =	sadd.s32 s9, s6;
	(pc) =	sbr.rel .LBB2_2-.Ltmp3, $4  }
0x72: {  	s6 =	sor.u32 s7, s6  }
0x73: {  	s6 =	sshrl.u32 s6, $0x3  }
0x74: {  	s0 =	sadd.s32 $0xF0, s0;
	s22 =	sadd.s32 $0x180, s22;
	s6 =	sadd.s32 s5, s6  }
0x75: {  	[tilespmem:s24], [sflag:$0x6] =	stream.linear.gather [hbm4b:s6+s4], $0x80, $0x38;
	[tilespmem:$0x1E100] =	vst v63  }
.LBB2_5:
0x76: {  	_ =	sfence.sel $0x180000  }
0x77: {  	[bflag:$0x0] =	sbarrier.arrive $0xFFFF  }
0x78: {  	_ =	strace $0x9000004A  }
0x79: {  	s0 =	stileid.u32;
	[bflag:$0x2] =	sbarrier.arrive $0xFFFF  }
0x7a: {  	p0 =	sne.s32 s0, $0x0;
	s0 =	rddreg [dreg:$0x3]  }
0x7b: {  	s0 =	sadd.s32 @!p0 $0x100000, s0  }
0x7c: {  	[sflag:s0] =	ssyncadd.tile.s32 @!p0 $0x1;
	_ =	shalt  }
.Lfunc_end2:
_tile_overlayer_lowered:
.L_overlay_start_2:
0x7d: {  	(tag) =	ssettag $0x2  }
0x7e: {  	s0 =	rddreg [dreg:$0x0];
	s2 =	stileid.u32  }
0x7f: {  	s1 =	rddreg [dreg:$0x1];
	p0 =	sne.s32 s2, $0x0  }
0x80: {  	s3 =	rddreg [dreg:$0x2];
	[bflag:$0x3] =	sbarrier.arrive $0xFFFF;
	s2 =	simm.s32 @!p0 $0x1C07  }
0x81: {  	[timem:s3], [sflag:s2] =	dma.local @!p0 [hbm:s0], s1  }
0x82: {  	s0 =	simm.s32 @!p0 $0x7  }
0x83: {  	_ =	swait.ge @!p0 [sflag:s0], s1  }
0x84: {  	s1 =	ssub.s32 @!p0 $0x0, s1;
	[sflag:s0] =	ssyncset.done @!p0 $0x0  }
0x85: {  	[sflag:s0] =	ssyncadd.s32 @!p0 s1  }
0x86: {  	[bflag:$0x3] =	sbarrier.arrive $0xFFFF  }
0x87: {  	_ =	shalt  }

// kernel: kernel.14.cloned.1.call-start
scs
__scs_entry_jumppad:
0x0: {  	(pc) =	sbr.rel $0x88, $3  }
0x1: {  	(tag) =	ssettag $0x0;
	lr =	simm.s32 $0x1  }
0x2: {  	[smem:$0x3F9B] =	sst lr;
	_ =	strace $0xD0000000  }
0x3: {  	_ = 	snop  }
0x4: {  	_ = 	snop  }
0x5: {  	_ = 	snop  }
0x6: {  	_ = 	snop  }
0x7: {  	_ = 	snop  }
__scs_overlays_trampoline_lowered:
0x8: {  	[smem:$0x3FAA] =	sst s0  }
0x9: {  	[smem:$0x3FAB] =	sst s1  }
0xa: {  	[smem:$0x3FAC] =	sst s2  }
0xb: {  	[smem:$0x3FAD] =	sst s3  }
0xc: {  	[smem:$0x3FAE] =	sst s4  }
0xd: {  	[smem:$0x3FAF] =	sst s5  }
0xe: {  	[smem:$0x3FB0] =	sst s6  }
0xf: {  	[smem:$0x3FB1] =	sst s7  }
0x10: {  	[smem:$0x3FB2] =	sst s8  }
0x11: {  	[smem:$0x3FB3] =	sst s9;
	s0 =	simm.s32 @!p0 $0x0  }
0x12: {  	s1 =	sld [smem:$0x3F99];
	s0 =	simm.s32 @p0 $0x1  }
0x13: {  	[smem:$0x3FB4] =	sst s0;
	s0 =	simm.s32 @!p1 $0x0  }
0x14: {  	s2 =	sld [smem:$0x3F98];
	s0 =	simm.s32 @p1 $0x1  }
0x15: {  	[smem:$0x3FB5] =	sst s0;
	s0 =	simm.s32 @!p2 $0x0  }
0x16: {  	s3 =	sld [smem:$0x3FDB];
	s0 =	simm.s32 @p2 $0x1  }
0x17: {  	s4 =	simm.s32 $0x1BF5;
	[smem:$0x3FB7] =	sst s0  }
0x18: {  	s0 =	sld [smem:$0x3F9A];
	_ =	swait.ge [sflag:s4], $0x0  }
0x19: {  	s7 =	sld [smem:$0x3F9B]  }
0x1a: {  	s8 =	sadd.s32 $0xFFFFE003, lr  }
0x1b: {  	s9 =	sadd.s32 $0xFFFFFEF7, lr;
	s5 =	simm.s32 $0xFFFFFFFF;
	p2 =	slt.u32 s8, $0xFFFFF086  }
0x1c: {  	p1 =	slt.u32 s9, $0xF7A;
	s5 =	simm.s32 @!p2 $0x0  }
0x1d: {  	s5 =	simm.s32 @p1 $0x1;
	p0 =	seq.s32 s7, s2  }
0x1e: {  	s7 =	smul.u32 @!p0 $0xF7A, s2;
	p2 =	seq.s32 @!p0 s5, $0x0  }
0x1f: {  	s9 =	smul.u32 $0xF7A, s1;
	s8 =	simm.s32 @!p0 $0x1BF5;
	p2 =	por !p2, p0  }
0x20: {  	[sflag:s8] =	ssyncset.s32 @!p0 $0xFFFFF086;
	s6 =	sadd.s32 @!p0 s3, s7;
	s7 =	simm.s32 @!p0 $0x108  }
0x21: {  	s3 =	sadd.s32 s3, s9;
	s6 =	sadd.s32 @!p0 $0x88, s6;
	s7 =	simm.s32 @p2 $0x1082  }
0x22: {  	[simem:s7], [sflag:s8] =	dma.local @!p0 [hbm:s6], $0xF7A  }
0x23: {  	s9 =	sor.u32 $0xD0000000, s2;
	s6 =	simm.s32 $0x108;
	_ =	swait.ge @!p0 [sflag:s8], $0x0  }
0x24: {  	s3 =	sadd.s32 $0x88, s3;
	s6 =	simm.s32 @!p1 $0x1082;
	[sflag:s4] =	ssyncset.s32 $0xFFFFF086  }
0x25: {  	[simem:s6], [sflag:s4] =	dma.local [hbm:s3], $0xF7A  }
0x26: {  	[smem:$0x3F9B] =	sst s1;
	(tag) =	ssettag s2;
	_ =	strace s9  }
0x27: {  	s1 =	sld [smem:$0x3FAB]  }
0x28: {  	s2 =	sld [smem:$0x3FAC]  }
0x29: {  	s4 =	sld [smem:$0x3FAE]  }
0x2a: {  	p0 =	seq.s32 s5, $0x0;
	s5 =	sld [smem:$0x3FAF]  }
0x2b: {  	s6 =	sld [smem:$0x3FB0]  }
0x2c: {  	s7 =	sld [smem:$0x3FB1]  }
0x2d: {  	s3 =	simm.s32 $0x108;
	s8 =	sld [smem:$0x3FB2]  }
0x2e: {  	s3 =	simm.s32 @!p0 $0x1082;
	s9 =	sld [smem:$0x3FB3]  }
0x2f: {  	lr =	sadd.s32 s0, s3;
	s0 =	sld [smem:$0x3FAA]  }
0x30: {  	s3 =	sld [smem:$0x3FAD]  }
0x31: {  	[smem:$0x3FB6] =	sst s10  }
0x32: {  	s10 =	sld [smem:$0x3FB4];
	_ =	sdelay $0x3  }
0x33: {  	p0 =	seq.s32 s10, $0x1;
	s10 =	sld [smem:$0x3FB6];
	_ =	sdelay $0x3  }
0x34: {  	[smem:$0x3FB6] =	sst s10  }
0x35: {  	s10 =	sld [smem:$0x3FB5];
	_ =	sdelay $0x3  }
0x36: {  	p1 =	seq.s32 s10, $0x1;
	s10 =	sld [smem:$0x3FB6];
	_ =	sdelay $0x3  }
0x37: {  	[smem:$0x3FB6] =	sst s10  }
0x38: {  	s10 =	sld [smem:$0x3FB7]  }
0x39: {  	_ = 	snop;
	(pc) =	sbr.ind lr, $3  }
0x3a: {  	_ = 	snop  }
0x3b: {  	_ = 	snop  }
0x3c: {  	p2 =	seq.s32 s10, $0x1;
	s10 =	sld [smem:$0x3FB6]  }
0x3d: {  	_ =	shalt  }
0x3e: {  	_ =	shalt  }
0x3f: {  	_ =	shalt  }
0x40: {  	_ =	shalt  }
0x41: {  	_ =	shalt  }
0x42: {  	_ =	shalt  }
0x43: {  	_ =	shalt  }
0x44: {  	_ =	shalt  }
0x45: {  	_ =	shalt  }
0x46: {  	_ =	shalt  }
0x47: {  	_ =	shalt  }
0x48: {  	_ =	shalt  }
0x49: {  	_ =	shalt  }
0x4a: {  	_ =	shalt  }
0x4b: {  	_ =	shalt  }
0x4c: {  	_ =	shalt  }
0x4d: {  	_ =	shalt  }
0x4e: {  	_ =	shalt  }
0x4f: {  	_ =	shalt  }
0x50: {  	_ =	shalt  }
0x51: {  	_ =	shalt  }
0x52: {  	_ =	shalt  }
0x53: {  	_ =	shalt  }
0x54: {  	_ =	shalt  }
0x55: {  	_ =	shalt  }
0x56: {  	_ =	shalt  }
0x57: {  	_ =	shalt  }
0x58: {  	_ =	shalt  }
0x59: {  	_ =	shalt  }
0x5a: {  	_ =	shalt  }
0x5b: {  	_ =	shalt  }
0x5c: {  	_ =	shalt  }
0x5d: {  	_ =	shalt  }
0x5e: {  	_ =	shalt  }
0x5f: {  	_ =	shalt  }
0x60: {  	_ =	shalt  }
0x61: {  	_ =	shalt  }
0x62: {  	_ =	shalt  }
0x63: {  	_ =	shalt  }
0x64: {  	_ =	shalt  }
0x65: {  	_ =	shalt  }
0x66: {  	_ =	shalt  }
0x67: {  	_ =	shalt  }
0x68: {  	_ =	shalt  }
0x69: {  	_ =	shalt  }
0x6a: {  	_ =	shalt  }
0x6b: {  	_ =	shalt  }
0x6c: {  	_ =	shalt  }
0x6d: {  	_ =	shalt  }
0x6e: {  	_ =	shalt  }
0x6f: {  	_ =	shalt  }
0x70: {  	_ =	shalt  }
0x71: {  	_ =	shalt  }
0x72: {  	_ =	shalt  }
0x73: {  	_ =	shalt  }
0x74: {  	_ =	shalt  }
0x75: {  	_ =	shalt  }
0x76: {  	_ =	shalt  }
0x77: {  	_ =	shalt  }
0x78: {  	_ =	shalt  }
0x79: {  	_ =	shalt  }
0x7a: {  	_ =	shalt  }
0x7b: {  	_ =	shalt  }
0x7c: {  	_ =	shalt  }
0x7d: {  	_ =	shalt  }
0x7e: {  	_ =	shalt  }
0x7f: {  	_ =	shalt  }
0x80: {  	_ =	shalt  }
0x81: {  	_ =	shalt  }
0x82: {  	_ =	shalt  }
0x83: {  	_ =	shalt  }
0x84: {  	_ =	shalt  }
0x85: {  	_ =	shalt  }
0x86: {  	_ =	shalt  }
0x87: {  	_ =	shalt  }
.Lfunc_end0:
.L_simem_size_0:
called_computation.2_lowered:
.L_overlay_start_0:
0x88: {  	s2 =	sld [smem:$0x3FD9]  }
0x89: {  	s3 =	sld [smem:$0x3FFE];
	_ =	sdelay $0x1  }
0x8a: {  	s1 =	srdreg.scid  }
0x8b: {  	s0 =	sand.u32 $0x1, s1  }
0x8c: {  	s17 =	sshll.u32 s0, $0xA;
	s2 =	sadd.s32 s3, s2  }
0x8d: {  	s2 =	sadd.s32 s2, s17  }
0x8e: {  	[smem:$0x3FC2] =	sst s2  }
0x8f: {  	_ = 	snop  }
0x90: {  	s2 =	sld [smem:$0x3FD0];
	(tm) =	ssettm $0x1  }
0x91: {  	s18 =	sld [smem:$0x3FFB];
	_ =	sdelay $0x3  }
0x92: {  	_ =	strace s18  }
0x93: {  	s3 =	sld [smem:$0x3FFC];
	_ =	sdelay $0x3  }
0x94: {  	_ =	strace s3  }
0x95: {  	s3 =	sld [smem:$0x3FFD];
	_ =	sdelay $0x3  }
0x96: {  	_ =	strace s3  }
0x97: {  	_ =	strace $0x8FFFFFFF  }
0x98: {  	s19 =	sld [smem:$0x3FDB];
	_ =	sdelay $0x1  }
0x99: {  	s4 =	simm.s32 $_scs_section_size  }
0x9a: {  	s5 =	simm.s32 $_size__tile_overlayer_lowered;
	s6 =	simm.s32 $_tile_overlayer_lowered  }
0x9b: {  	s22 =	simm.s32 $0x1BFF;
	s21 =	sshll.u32 s6, $0x1;
	s3 =	sadd.s32 s4, s19  }
0x9c: {  	s7 =	simm.s32 $0x0;
	s20 =	sshll.u32 s5, $0x1;
	s5 =	sadd.s32 s21, s3  }
0x9d: {  	[timem:s7], [sflag:s22] =	dma.local [hbm:s5], s20  }
0x9e: {  	_ =	swait.ge [sflag:s22], s20  }
0x9f: {  	s4 =	ssub.s32 $0x0, s20;
	[sflag:s22] =	ssyncset.done $0x0  }
0xa0: {  	[sflag:s22] =	ssyncadd.s32 s4;
	_ =	sdelay $0x1  }
0xa1: {  	s23 =	simm.s32 $0x1B8B  }
0xa2: {  	_ =	swait.ge [sflag:s23], $0x1  }
0xa3: {  	[sflag:s23] =	ssyncset.done $0x0  }
0xa4: {  	s25 =	simm.s32 $0x1B8E;
	s24 =	sld [smem:$0x3FFE];
	[sflag:s23] =	ssyncadd.s32 $0xFFFFFFFF  }
0xa5: {  	s26 =	simm.s32 $execute0_lowered;
	[smem:$0x3FD2] =	sst s25  }
0xa6: {  	s5 =	sshll.u32 s26, $0x1;
	_ =	strace $0x8000004C;
	[dreg:$0x1] =	wrdreg $0xFFFFFFFF  }
0xa7: {  	s28 =	simm.s32 $_size_execute0_lowered;
	s3 =	sadd.s32 s3, s5;
	[dreg:$0x0] =	wrdreg $0x0  }
0xa8: {  	s5 =	sshll.u32 s28, $0x1;
	[dreg:$0x2] =	wrdreg s3  }
0xa9: {  	[dreg:$0x3] =	wrdreg s5  }
0xaa: {  	[dreg:$0x4] =	wrdreg $0xC0  }
0xab: {  	_ =	task [dreg:s7], $0x5FFFF  }
0xac: {  	[dreg:$0x1] =	wrdreg $0xFFFFFFFF  }
0xad: {  	[dreg:$0x0] =	wrdreg $0x60  }
0xae: {  	[dreg:$0x2] =	wrdreg s2  }
0xaf: {  	[dreg:$0x3] =	wrdreg s24  }
0xb0: {  	[dreg:$0x4] =	wrdreg $0xA1000  }
0xb1: {  	[dreg:$0x5] =	wrdreg $0x9  }
0xb2: {  	_ =	task.clear_ibuf [dreg:s7], $0x6FFFF;
	_ =	strace $0x9000004C  }
0xb3: {  	s29 =	simm.s32 $0x9;
	_ =	strace $0x8000004E  }
0xb4: {  	_ =	swait.ge [sflag:s29], $0x1  }
0xb5: {  	[sflag:s29] =	ssyncadd.s32 $0xFFFFFFFF  }
0xb6: {  	_ =	strace $0x9000004E  }
0xb7: {  	_ =	sfence  }
0xb8: {  	s30 =	sld [smem:$0x0];
	_ =	sdelay $0x2  }
0xb9: {  	s31 =	sshll.u32 s1, $0xD;
	s1 =	sshrl.u32 s1, $0x2  }
0xba: {  	s3 =	sand.u32 $0x4000, s31;
	s1 =	sadd.s32 s1, s30  }
0xbb: {  	s0 =	sor.u32 s3, s0;
	s1 =	sshll.u32 s1, $0x11  }
0xbc: {  	s0 =	sor.u32 s1, s0  }
0xbd: {  	s0 =	sadd.s32 $0x8F2B, s0  }
0xbe: {  	[sflag:s0] =	ssyncadd.remote.s32 $0x1  }
0xbf: {  	_ =	sfence.sel $0xFFFF  }
0xc0: {  	[dreg:$0x0] =	wrdreg $0xFFFFFFFF;
	(pc) =	sbr.abs _section_cstart, $3  }
0xc1: {  	[dreg:$0x1] =	wrdreg $0xFFFFFFFF  }
0xc2: {  	_ =	task.clear_ibuf [dreg:s7], $0x2FFFF;
	_ =	strace $0x9FFFFFFF  }
0xc3: {  	(tm) =	ssettm $0x7FFFFFFF  }
tec
execute0_lowered:
.L_overlay_start_1:
0x0: {  	(tag) =	ssettag $0x1  }
0x1: {  	s0 =	srdreg.scid;
	s1 =	rddreg [dreg:$0x0]  }
0x2: {  	s14 =	stileid.u32;
	s7 =	rddreg [dreg:$0x1]  }
0x3: {  	s3 =	rddreg [dreg:$0x2];
	s4 =	simm.s32 $0x0;
	s17 =	simm.s32 $0x50  }
0x4: {  	s18 =	simm.s32 $0x2900;
	s19 =	simm.s32 $0x2780;
	s20 =	simm.s32 $0x5100  }
0x5: {  	s28 =	simm.s32 $0x2;
	s29 =	simm.s32 $0x5;
	s30 =	simm.s32 $0x3  }
0x6: {  	s31 =	simm.s32 $0x6;
	s0 =	sand.u32 $0x1, s0;
	s8 =	smul.u32 $0x14000, s14  }
0x7: {  	[smem:$0x7FF] =	sst s4;
	s10 =	smul.u32 $0x50000, s14;
	s21 =	sadd.s32 $0x1C400, s7  }
0x8: {  	s26 =	sshll.u32 s14, $0x6;
	s2 =	sshll.u32 s0, $0x4;
	s6 =	smul.u32 $0x140000, s0  }
0x9: {  	_ =	strace $0x8000004D;
	s0 =	ssub.s32 $0x2, s0;
	[dreg:$0x4] =	wrdreg s21  }
0xa: {  	s15 =	sor.u32 $0x1C07, s26;
	s21 =	simm.s32 $0x2800;
	s26 =	simm.s32 $0x4  }
0xb: {  	s2 =	sor.u32 s14, s2;
	s22 =	sshrl.u32 s0, $0x1;
	s23 =	sshrl.u32 s10, $0x2  }
0xc: {  	s14 =	simm.s32 $0x7;
	s5 =	smul.u32 $0x4E2, s2;
	s6 =	sadd.s32 s8, s6  }
0xd: {  	s0 =	ssub.s32 s0, s22;
	s24 =	sshll.u32 s2, $0xB;
	s16 =	sadd.s32 s23, s3  }
0xe: {  	s23 =	simm.s32 $0x7900;
	s8 =	sshrl.u32 s6, $0x3;
	s13 =	smax.u32 s0, $0x1  }
.Ltmp0:
0xf: {  	s16 =	sshrl.u32 s16, $0x3;
	s9 =	sadd.s32 s5, s7;
	(pc) =	sbr.rel .LBB2_1-.Ltmp0, $4  }
0x10: {  	s5 =	sadd.s32 $0xC400, s7;
	s12 =	sadd.s32 s8, s7;
	s25 =	sadd.s32 $0x2600, s9  }
0x11: {  	s8 =	sadd.s32 s5, s24;
	s9 =	sshll.u32 s2, $0xE;
	s12 =	sadd.s32 $0x1EC00, s12  }
0x12: {  	s24 =	simm.s32 $0x2880;
	s2 =	simm.s32 $0x0;
	[dreg:$0x5] =	wrdreg s25  }
0x13: {  	s10 =	sadd.s32 $0x10, s8;
	s11 =	sadd.s32 $0x20, s8;
	s25 =	simm.s32 $0x1  }
.LBB2_4:
0x14: {  	_ =	swait.ge [sflag:s25], $0x2800  }
0x15: {  	[sflag:s25] =	ssyncset.done $0x0  }
0x16: {  	[sflag:s25] =	ssyncadd.s32 $0xFFFFD800  }
0x17: {  	_ =	swait.ge [sflag:s26], $0x80  }
0x18: {  	[sflag:s26] =	ssyncset.done $0x0  }
0x19: {  	[sflag:s26] =	ssyncadd.s32 $0xFFFFFF80  }
0x1a: {  	[spmem:s3] =	stream.indirect.scatter.add.f32 [tilespmem:s18], [sflag:$0x7], $0x80, s19, s17, $0xb8;
	[tilespmem:$0x1E100] =	vst v63  }
0x1b: {  	_ =	swait.ge [sflag:s14], $0x2800  }
0x1c: {  	[sflag:s14] =	ssyncset.done $0x0  }
0x1d: {  	[sflag:s14] =	ssyncadd.s32 $0xFFFFD800  }
0x1e: {  	_ =	swait.ge [sflag:s28], $0x2800  }
0x1f: {  	[sflag:s28] =	ssyncset.done $0x0  }
0x20: {  	[sflag:s28] =	ssyncadd.s32 $0xFFFFD800  }
0x21: {  	_ =	swait.ge [sflag:s29], $0x80  }
0x22: {  	[sflag:s29] =	ssyncset.done $0x0  }
0x23: {  	[sflag:s29] =	ssyncadd.s32 $0xFFFFFF80  }
0x24: {  	[spmem:s3] =	stream.indirect.scatter.add.f32 [tilespmem:s20], [sflag:$0x7], $0x80, s21, s17, $0xb8;
	[tilespmem:$0x1E100] =	vst v63  }
0x25: {  	_ =	swait.ge [sflag:s14], $0x2800  }
0x26: {  	s2 =	sadd.s32 $0x1, s2;
	[sflag:s14] =	ssyncset.done $0x0  }
0x27: {  	p0 =	sne.s32 s2, s13;
	[sflag:s14] =	ssyncadd.s32 $0xFFFFD800  }
.Ltmp1:
0x28: {  	[bflag:$0x0] =	sbarrier.arrive $0xFFFF;
	(pc) =	sbr.rel @!p0 .LBB2_5-.Ltmp1, $4  }
0x29: {  	[hbm:s12], [sflag:s15] =	dma.local [spmem:s16], $0x2800  }
0x2a: {  	_ =	swait.ge [sflag:s14], $0x2800  }
0x2b: {  	[sflag:s14] =	ssyncset.done $0x0  }
0x2c: {  	[sflag:s14] =	ssyncadd.s32 $0xFFFFD800  }
.LBB2_1:
0x2d: {  	s0 =	rddreg [dreg:$0x5]  }
0x2e: {  	[tilespmem:s4], [sflag:$0x7] =	stream.linear.gather [hbm4b:s0+s4], $0x2710, $0x38;
	[tilespmem:$0x1E100] =	vst v63  }
0x2f: {  	_ =	swait.ge [sflag:s14], $0x2710  }
0x30: {  	[sflag:s14] =	ssyncset.done $0x0  }
0x31: {  	s7 =	rddreg [dreg:$0x4];
	[sflag:s14] =	ssyncadd.s32 $0xFFFFD8F0  }
0x32: {  	[spmem:s16], [sflag:s15] =	dma.local [hbm:s7], $0x2800  }
0x33: {  	_ =	swait.ge [sflag:s14], $0x2800  }
0x34: {  	[sflag:s14] =	ssyncset.done $0x0  }
0x35: {  	[sflag:s14] =	ssyncadd.s32 $0xFFFFD800  }
0x36: {  	[bflag:$0x0] =	sbarrier.arrive $0xFFFF  }
0x37: {  	[tilespmem:s18], [sflag:$0x1] =	stream.indirect.gather [hbm4b:s1+s17], $0x80, s4, s17, $0xb8;
	[tilespmem:$0x1E100] =	vst v63  }
0x38: {  	_ = 	snop  }
0x39: {  	[tilespmem:s19], [sflag:$0x4] =	stream.linear.gather [hbm4b:s8+s4], $0x80, $0x38;
	[tilespmem:$0x1E100] =	vst v63  }
0x3a: {  	_ = 	snop  }
0x3b: {  	[tilespmem:s20], [sflag:$0x2] =	stream.indirect.gather [hbm4b:s1+s17], $0x80, s17, s17, $0xb8;
	[tilespmem:$0x1E100] =	vst v63  }
0x3c: {  	_ = 	snop  }
0x3d: {  	[tilespmem:s21], [sflag:$0x5] =	stream.linear.gather [hbm4b:s10+s4], $0x80, $0x38;
	[tilespmem:$0x1E100] =	vst v63  }
0x3e: {  	s22 =	simm.s32 $0xA0  }
0x3f: {  	[tilespmem:s23], [sflag:$0x3] =	stream.indirect.gather [hbm4b:s1+s17], $0x80, s22, s17, $0xb8;
	[tilespmem:$0x1E100] =	vst v63  }
0x40: {  	s0 =	simm.s32 $0x190;
	s22 =	simm.s32 $0x280  }
0x41: {  	[tilespmem:s24], [sflag:$0x6] =	stream.linear.gather [hbm4b:s11+s4], $0x80, $0x38;
	[tilespmem:$0x1E100] =	vst v63  }
.LBB2_2:
0x42: {  	_ =	swait.ge [sflag:s25], $0x2800  }
0x43: {  	[sflag:s25] =	ssyncset.done $0x0  }
0x44: {  	[sflag:s25] =	ssyncadd.s32 $0xFFFFD800  }
0x45: {  	_ =	swait.ge [sflag:s26], $0x80  }
0x46: {  	[sflag:s26] =	ssyncset.done $0x0  }
0x47: {  	[sflag:s26] =	ssyncadd.s32 $0xFFFFFF80  }
0x48: {  	[spmem:s3] =	stream.indirect.scatter.add.f32 [tilespmem:s18], [sflag:$0x7], $0x80, s19, s17, $0xb8;
	[tilespmem:$0x1E100] =	vst v63  }
0x49: {  	_ =	swait.ge [sflag:s14], $0x2800  }
0x4a: {  	[sflag:s14] =	ssyncset.done $0x0  }
0x4b: {  	s6 =	sadd.s32 $0xFFFFFF60, s0;
	[sflag:s14] =	ssyncadd.s32 $0xFFFFD800  }
0x4c: {  	[tilespmem:s18], [sflag:$0x1] =	stream.indirect.gather [hbm4b:s1+s17], $0x80, s6, s17, $0xb8;
	[tilespmem:$0x1E100] =	vst v63  }
0x4d: {  	s6 =	sadd.s32 $0xFFFFFF00, s22  }
0x4e: {  	s7 =	sand.u32 $0xFC00, s6  }
0x4f: {  	s6 =	sand.u32 $0x380, s6;
	s7 =	sadd.s32 s9, s7  }
0x50: {  	s6 =	sor.u32 s6, s7  }
0x51: {  	s6 =	sshrl.u32 s6, $0x3  }
0x52: {  	s6 =	sadd.s32 s5, s6  }
0x53: {  	[tilespmem:s19], [sflag:$0x4] =	stream.linear.gather [hbm4b:s6+s4], $0x80, $0x38;
	[tilespmem:$0x1E100] =	vst v63  }
0x54: {  	_ =	swait.ge [sflag:s28], $0x2800  }
0x55: {  	[sflag:s28] =	ssyncset.done $0x0  }
0x56: {  	[sflag:s28] =	ssyncadd.s32 $0xFFFFD800  }
0x57: {  	_ =	swait.ge [sflag:s29], $0x80  }
0x58: {  	[sflag:s29] =	ssyncset.done $0x0  }
0x59: {  	[sflag:s29] =	ssyncadd.s32 $0xFFFFFF80  }
0x5a: {  	[spmem:s3] =	stream.indirect.scatter.add.f32 [tilespmem:s20], [sflag:$0x7], $0x80, s21, s17, $0xb8;
	[tilespmem:$0x1E100] =	vst v63  }
0x5b: {  	_ =	swait.ge [sflag:s14], $0x2800  }
0x5c: {  	[sflag:s14] =	ssyncset.done $0x0  }
0x5d: {  	s7 =	sadd.s32 $0xFFFFFFB0, s0;
	s6 =	sadd.s32 $0xFFFFFF80, s22;
	[sflag:s14] =	ssyncadd.s32 $0xFFFFD800  }
0x5e: {  	[tilespmem:s20], [sflag:$0x2] =	stream.indirect.gather [hbm4b:s1+s17], $0x80, s7, s17, $0xb8;
	[tilespmem:$0x1E100] =	vst v63  }
0x5f: {  	s7 =	sand.u32 $0xFC00, s6  }
0x60: {  	s6 =	sand.u32 $0x380, s6;
	s7 =	sadd.s32 s9, s7  }
0x61: {  	s6 =	sor.u32 s6, s7  }
0x62: {  	s6 =	sshrl.u32 s6, $0x3  }
0x63: {  	s6 =	sadd.s32 s5, s6  }
0x64: {  	[tilespmem:s21], [sflag:$0x5] =	stream.linear.gather [hbm4b:s6+s4], $0x80, $0x38;
	[tilespmem:$0x1E100] =	vst v63  }
0x65: {  	_ =	swait.ge [sflag:s30], $0x2800  }
0x66: {  	[sflag:s30] =	ssyncset.done $0x0  }
0x67: {  	[sflag:s30] =	ssyncadd.s32 $0xFFFFD800  }
0x68: {  	_ =	swait.ge [sflag:s31], $0x80  }
0x69: {  	p0 =	seq.s32 s22, $0x3E80;
	[sflag:s31] =	ssyncset.done $0x0  }
.Ltmp2:
0x6a: {  	[sflag:s31] =	ssyncadd.s32 $0xFFFFFF80;
	(pc) =	sbr.rel @p0 .LBB2_4-.Ltmp2, $4  }
0x6b: {  	[spmem:s3] =	stream.indirect.scatter.add.f32 [tilespmem:s23], [sflag:$0x7], $0x80, s24, s17, $0xb8;
	[tilespmem:$0x1E100] =	vst v63  }
0x6c: {  	_ =	swait.ge [sflag:s14], $0x2800  }
0x6d: {  	[sflag:s14] =	ssyncset.done $0x0  }
0x6e: {  	[sflag:s14] =	ssyncadd.s32 $0xFFFFD800  }
0x6f: {  	[tilespmem:s23], [sflag:$0x3] =	stream.indirect.gather [hbm4b:s1+s17], $0x80, s0, s17, $0xb8;
	[tilespmem:$0x1E100] =	vst v63  }
0x70: {  	s6 =	sand.u32 $0xFC00, s22  }
.Ltmp3:
0x71: {  	s7 =	sand.u32 $0x380, s22;
	s6 =	sadd.s32 s9, s6;
	(pc) =	sbr.rel .LBB2_2-.Ltmp3, $4  }
0x72: {  	s6 =	sor.u32 s7, s6  }
0x73: {  	s6 =	sshrl.u32 s6, $0x3  }
0x74: {  	s0 =	sadd.s32 $0xF0, s0;
	s22 =	sadd.s32 $0x180, s22;
	s6 =	sadd.s32 s5, s6  }
0x75: {  	[tilespmem:s24], [sflag:$0x6] =	stream.linear.gather [hbm4b:s6+s4], $0x80, $0x38;
	[tilespmem:$0x1E100] =	vst v63  }
.LBB2_5:
0x76: {  	_ =	sfence.sel $0x180000  }
0x77: {  	[bflag:$0x0] =	sbarrier.arrive $0xFFFF  }
0x78: {  	_ =	strace $0x9000004D  }
0x79: {  	s0 =	stileid.u32;
	[bflag:$0x2] =	sbarrier.arrive $0xFFFF  }
0x7a: {  	p0 =	sne.s32 s0, $0x0;
	s0 =	rddreg [dreg:$0x3]  }
0x7b: {  	s0 =	sadd.s32 @!p0 $0x100000, s0  }
0x7c: {  	[sflag:s0] =	ssyncadd.tile.s32 @!p0 $0x1;
	_ =	shalt  }
.Lfunc_end2:
_tile_overlayer_lowered:
.L_overlay_start_2:
0x7d: {  	(tag) =	ssettag $0x2  }
0x7e: {  	s0 =	rddreg [dreg:$0x0];
	s2 =	stileid.u32  }
0x7f: {  	s1 =	rddreg [dreg:$0x1];
	p0 =	sne.s32 s2, $0x0  }
0x80: {  	s3 =	rddreg [dreg:$0x2];
	[bflag:$0x3] =	sbarrier.arrive $0xFFFF;
	s2 =	simm.s32 @!p0 $0x1C07  }
0x81: {  	[timem:s3], [sflag:s2] =	dma.local @!p0 [hbm:s0], s1  }
0x82: {  	s0 =	simm.s32 @!p0 $0x7  }
0x83: {  	_ =	swait.ge @!p0 [sflag:s0], s1  }
0x84: {  	s1 =	ssub.s32 @!p0 $0x0, s1;
	[sflag:s0] =	ssyncset.done @!p0 $0x0  }
0x85: {  	[sflag:s0] =	ssyncadd.s32 @!p0 s1  }
0x86: {  	[bflag:$0x3] =	sbarrier.arrive $0xFFFF  }
0x87: {  	_ =	shalt  }

// kernel: kernel.8.cloned.1.call-start
scs
__scs_entry_jumppad:
0x0: {  	(pc) =	sbr.rel $0x88, $3  }
0x1: {  	(tag) =	ssettag $0x0;
	lr =	simm.s32 $0x1  }
0x2: {  	[smem:$0x3F9B] =	sst lr;
	_ =	strace $0xD0000000  }
0x3: {  	_ = 	snop  }
0x4: {  	_ = 	snop  }
0x5: {  	_ = 	snop  }
0x6: {  	_ = 	snop  }
0x7: {  	_ = 	snop  }
__scs_overlays_trampoline_lowered:
0x8: {  	[smem:$0x3FAA] =	sst s0  }
0x9: {  	[smem:$0x3FAB] =	sst s1  }
0xa: {  	[smem:$0x3FAC] =	sst s2  }
0xb: {  	[smem:$0x3FAD] =	sst s3  }
0xc: {  	[smem:$0x3FAE] =	sst s4  }
0xd: {  	[smem:$0x3FAF] =	sst s5  }
0xe: {  	[smem:$0x3FB0] =	sst s6  }
0xf: {  	[smem:$0x3FB1] =	sst s7  }
0x10: {  	[smem:$0x3FB2] =	sst s8  }
0x11: {  	[smem:$0x3FB3] =	sst s9;
	s0 =	simm.s32 @!p0 $0x0  }
0x12: {  	s1 =	sld [smem:$0x3F99];
	s0 =	simm.s32 @p0 $0x1  }
0x13: {  	[smem:$0x3FB4] =	sst s0;
	s0 =	simm.s32 @!p1 $0x0  }
0x14: {  	s2 =	sld [smem:$0x3F98];
	s0 =	simm.s32 @p1 $0x1  }
0x15: {  	[smem:$0x3FB5] =	sst s0;
	s0 =	simm.s32 @!p2 $0x0  }
0x16: {  	s3 =	sld [smem:$0x3FDB];
	s0 =	simm.s32 @p2 $0x1  }
0x17: {  	s4 =	simm.s32 $0x1BF5;
	[smem:$0x3FB7] =	sst s0  }
0x18: {  	s0 =	sld [smem:$0x3F9A];
	_ =	swait.ge [sflag:s4], $0x0  }
0x19: {  	s7 =	sld [smem:$0x3F9B]  }
0x1a: {  	s8 =	sadd.s32 $0xFFFFE003, lr  }
0x1b: {  	s9 =	sadd.s32 $0xFFFFFEF7, lr;
	s5 =	simm.s32 $0xFFFFFFFF;
	p2 =	slt.u32 s8, $0xFFFFF086  }
0x1c: {  	p1 =	slt.u32 s9, $0xF7A;
	s5 =	simm.s32 @!p2 $0x0  }
0x1d: {  	s5 =	simm.s32 @p1 $0x1;
	p0 =	seq.s32 s7, s2  }
0x1e: {  	s7 =	smul.u32 @!p0 $0xF7A, s2;
	p2 =	seq.s32 @!p0 s5, $0x0  }
0x1f: {  	s9 =	smul.u32 $0xF7A, s1;
	s8 =	simm.s32 @!p0 $0x1BF5;
	p2 =	por !p2, p0  }
0x20: {  	[sflag:s8] =	ssyncset.s32 @!p0 $0xFFFFF086;
	s6 =	sadd.s32 @!p0 s3, s7;
	s7 =	simm.s32 @!p0 $0x108  }
0x21: {  	s3 =	sadd.s32 s3, s9;
	s6 =	sadd.s32 @!p0 $0x88, s6;
	s7 =	simm.s32 @p2 $0x1082  }
0x22: {  	[simem:s7], [sflag:s8] =	dma.local @!p0 [hbm:s6], $0xF7A  }
0x23: {  	s9 =	sor.u32 $0xD0000000, s2;
	s6 =	simm.s32 $0x108;
	_ =	swait.ge @!p0 [sflag:s8], $0x0  }
0x24: {  	s3 =	sadd.s32 $0x88, s3;
	s6 =	simm.s32 @!p1 $0x1082;
	[sflag:s4] =	ssyncset.s32 $0xFFFFF086  }
0x25: {  	[simem:s6], [sflag:s4] =	dma.local [hbm:s3], $0xF7A  }
0x26: {  	[smem:$0x3F9B] =	sst s1;
	(tag) =	ssettag s2;
	_ =	strace s9  }
0x27: {  	s1 =	sld [smem:$0x3FAB]  }
0x28: {  	s2 =	sld [smem:$0x3FAC]  }
0x29: {  	s4 =	sld [smem:$0x3FAE]  }
0x2a: {  	p0 =	seq.s32 s5, $0x0;
	s5 =	sld [smem:$0x3FAF]  }
0x2b: {  	s6 =	sld [smem:$0x3FB0]  }
0x2c: {  	s7 =	sld [smem:$0x3FB1]  }
0x2d: {  	s3 =	simm.s32 $0x108;
	s8 =	sld [smem:$0x3FB2]  }
0x2e: {  	s3 =	simm.s32 @!p0 $0x1082;
	s9 =	sld [smem:$0x3FB3]  }
0x2f: {  	lr =	sadd.s32 s0, s3;
	s0 =	sld [smem:$0x3FAA]  }
0x30: {  	s3 =	sld [smem:$0x3FAD]  }
0x31: {  	[smem:$0x3FB6] =	sst s10  }
0x32: {  	s10 =	sld [smem:$0x3FB4];
	_ =	sdelay $0x3  }
0x33: {  	p0 =	seq.s32 s10, $0x1;
	s10 =	sld [smem:$0x3FB6];
	_ =	sdelay $0x3  }
0x34: {  	[smem:$0x3FB6] =	sst s10  }
0x35: {  	s10 =	sld [smem:$0x3FB5];
	_ =	sdelay $0x3  }
0x36: {  	p1 =	seq.s32 s10, $0x1;
	s10 =	sld [smem:$0x3FB6];
	_ =	sdelay $0x3  }
0x37: {  	[smem:$0x3FB6] =	sst s10  }
0x38: {  	s10 =	sld [smem:$0x3FB7]  }
0x39: {  	_ = 	snop;
	(pc) =	sbr.ind lr, $3  }
0x3a: {  	_ = 	snop  }
0x3b: {  	_ = 	snop  }
0x3c: {  	p2 =	seq.s32 s10, $0x1;
	s10 =	sld [smem:$0x3FB6]  }
0x3d: {  	_ =	shalt  }
0x3e: {  	_ =	shalt  }
0x3f: {  	_ =	shalt  }
0x40: {  	_ =	shalt  }
0x41: {  	_ =	shalt  }
0x42: {  	_ =	shalt  }
0x43: {  	_ =	shalt  }
0x44: {  	_ =	shalt  }
0x45: {  	_ =	shalt  }
0x46: {  	_ =	shalt  }
0x47: {  	_ =	shalt  }
0x48: {  	_ =	shalt  }
0x49: {  	_ =	shalt  }
0x4a: {  	_ =	shalt  }
0x4b: {  	_ =	shalt  }
0x4c: {  	_ =	shalt  }
0x4d: {  	_ =	shalt  }
0x4e: {  	_ =	shalt  }
0x4f: {  	_ =	shalt  }
0x50: {  	_ =	shalt  }
0x51: {  	_ =	shalt  }
0x52: {  	_ =	shalt  }
0x53: {  	_ =	shalt  }
0x54: {  	_ =	shalt  }
0x55: {  	_ =	shalt  }
0x56: {  	_ =	shalt  }
0x57: {  	_ =	shalt  }
0x58: {  	_ =	shalt  }
0x59: {  	_ =	shalt  }
0x5a: {  	_ =	shalt  }
0x5b: {  	_ =	shalt  }
0x5c: {  	_ =	shalt  }
0x5d: {  	_ =	shalt  }
0x5e: {  	_ =	shalt  }
0x5f: {  	_ =	shalt  }
0x60: {  	_ =	shalt  }
0x61: {  	_ =	shalt  }
0x62: {  	_ =	shalt  }
0x63: {  	_ =	shalt  }
0x64: {  	_ =	shalt  }
0x65: {  	_ =	shalt  }
0x66: {  	_ =	shalt  }
0x67: {  	_ =	shalt  }
0x68: {  	_ =	shalt  }
0x69: {  	_ =	shalt  }
0x6a: {  	_ =	shalt  }
0x6b: {  	_ =	shalt  }
0x6c: {  	_ =	shalt  }
0x6d: {  	_ =	shalt  }
0x6e: {  	_ =	shalt  }
0x6f: {  	_ =	shalt  }
0x70: {  	_ =	shalt  }
0x71: {  	_ =	shalt  }
0x72: {  	_ =	shalt  }
0x73: {  	_ =	shalt  }
0x74: {  	_ =	shalt  }
0x75: {  	_ =	shalt  }
0x76: {  	_ =	shalt  }
0x77: {  	_ =	shalt  }
0x78: {  	_ =	shalt  }
0x79: {  	_ =	shalt  }
0x7a: {  	_ =	shalt  }
0x7b: {  	_ =	shalt  }
0x7c: {  	_ =	shalt  }
0x7d: {  	_ =	shalt  }
0x7e: {  	_ =	shalt  }
0x7f: {  	_ =	shalt  }
0x80: {  	_ =	shalt  }
0x81: {  	_ =	shalt  }
0x82: {  	_ =	shalt  }
0x83: {  	_ =	shalt  }
0x84: {  	_ =	shalt  }
0x85: {  	_ =	shalt  }
0x86: {  	_ =	shalt  }
0x87: {  	_ =	shalt  }
.Lfunc_end0:
.L_simem_size_0:
called_computation_lowered:
.L_overlay_start_0:
0x88: {  	s2 =	sld [smem:$0x3FD9]  }
0x89: {  	s3 =	sld [smem:$0x3FFE];
	_ =	sdelay $0x1  }
0x8a: {  	s1 =	srdreg.scid  }
0x8b: {  	s0 =	sand.u32 $0x1, s1  }
0x8c: {  	s17 =	sshll.u32 s0, $0xA;
	s2 =	sadd.s32 s3, s2  }
0x8d: {  	s2 =	sadd.s32 s2, s17  }
0x8e: {  	[smem:$0x3FC2] =	sst s2  }
0x8f: {  	_ = 	snop  }
0x90: {  	s2 =	sld [smem:$0x3FD0];
	(tm) =	ssettm $0x1  }
0x91: {  	s18 =	sld [smem:$0x3FFB];
	_ =	sdelay $0x3  }
0x92: {  	_ =	strace s18  }
0x93: {  	s3 =	sld [smem:$0x3FFC];
	_ =	sdelay $0x3  }
0x94: {  	_ =	strace s3  }
0x95: {  	s3 =	sld [smem:$0x3FFD];
	_ =	sdelay $0x3  }
0x96: {  	_ =	strace s3  }
0x97: {  	_ =	strace $0x8FFFFFFF  }
0x98: {  	s19 =	sld [smem:$0x3FDB];
	_ =	sdelay $0x1  }
0x99: {  	s4 =	simm.s32 $_scs_section_size  }
0x9a: {  	s5 =	simm.s32 $_size__tile_overlayer_lowered;
	s6 =	simm.s32 $_tile_overlayer_lowered  }
0x9b: {  	s22 =	simm.s32 $0x1BFF;
	s21 =	sshll.u32 s6, $0x1;
	s3 =	sadd.s32 s4, s19  }
0x9c: {  	s7 =	simm.s32 $0x0;
	s20 =	sshll.u32 s5, $0x1;
	s5 =	sadd.s32 s21, s3  }
0x9d: {  	[timem:s7], [sflag:s22] =	dma.local [hbm:s5], s20  }
0x9e: {  	_ =	swait.ge [sflag:s22], s20  }
0x9f: {  	s4 =	ssub.s32 $0x0, s20;
	[sflag:s22] =	ssyncset.done $0x0  }
0xa0: {  	[sflag:s22] =	ssyncadd.s32 s4;
	_ =	sdelay $0x1  }
0xa1: {  	s23 =	simm.s32 $0x1B8B  }
0xa2: {  	_ =	swait.ge [sflag:s23], $0x1  }
0xa3: {  	[sflag:s23] =	ssyncset.done $0x0  }
0xa4: {  	s25 =	simm.s32 $0x1B8E;
	s24 =	sld [smem:$0x3FFE];
	[sflag:s23] =	ssyncadd.s32 $0xFFFFFFFF  }
0xa5: {  	s26 =	simm.s32 $execute0_lowered;
	[smem:$0x3FD2] =	sst s25  }
0xa6: {  	s5 =	sshll.u32 s26, $0x1;
	_ =	strace $0x80000046;
	[dreg:$0x1] =	wrdreg $0xFFFFFFFF  }
0xa7: {  	s28 =	simm.s32 $_size_execute0_lowered;
	s3 =	sadd.s32 s3, s5;
	[dreg:$0x0] =	wrdreg $0x0  }
0xa8: {  	s5 =	sshll.u32 s28, $0x1;
	[dreg:$0x2] =	wrdreg s3  }
0xa9: {  	[dreg:$0x3] =	wrdreg s5  }
0xaa: {  	[dreg:$0x4] =	wrdreg $0xC0  }
0xab: {  	_ =	task [dreg:s7], $0x5FFFF  }
0xac: {  	[dreg:$0x1] =	wrdreg $0xFFFFFFFF  }
0xad: {  	[dreg:$0x0] =	wrdreg $0x60  }
0xae: {  	[dreg:$0x2] =	wrdreg s24  }
0xaf: {  	[dreg:$0x3] =	wrdreg s2  }
0xb0: {  	[dreg:$0x4] =	wrdreg $0x68000  }
0xb1: {  	[dreg:$0x5] =	wrdreg $0x9  }
0xb2: {  	_ =	task.clear_ibuf [dreg:s7], $0x6FFFF;
	_ =	strace $0x90000046  }
0xb3: {  	s29 =	simm.s32 $0x9;
	_ =	strace $0x80000048  }
0xb4: {  	_ =	swait.ge [sflag:s29], $0x1  }
0xb5: {  	[sflag:s29] =	ssyncadd.s32 $0xFFFFFFFF  }
0xb6: {  	_ =	strace $0x90000048  }
0xb7: {  	_ =	sfence  }
0xb8: {  	s30 =	sld [smem:$0x0];
	_ =	sdelay $0x2  }
0xb9: {  	s31 =	sshll.u32 s1, $0xD;
	s1 =	sshrl.u32 s1, $0x2  }
0xba: {  	s3 =	sand.u32 $0x4000, s31;
	s1 =	sadd.s32 s1, s30  }
0xbb: {  	s0 =	sor.u32 s3, s0;
	s1 =	sshll.u32 s1, $0x11  }
0xbc: {  	s0 =	sor.u32 s1, s0  }
0xbd: {  	s0 =	sadd.s32 $0x8F2B, s0  }
0xbe: {  	[sflag:s0] =	ssyncadd.remote.s32 $0x1  }
0xbf: {  	_ =	sfence.sel $0xFFFF  }
0xc0: {  	[dreg:$0x0] =	wrdreg $0xFFFFFFFF;
	(pc) =	sbr.abs _section_cstart, $3  }
0xc1: {  	[dreg:$0x1] =	wrdreg $0xFFFFFFFF  }
0xc2: {  	_ =	task.clear_ibuf [dreg:s7], $0x2FFFF;
	_ =	strace $0x9FFFFFFF  }
0xc3: {  	(tm) =	ssettm $0x7FFFFFFF  }
tec
execute0_lowered:
.L_overlay_start_1:
0x0: {  	(tag) =	ssettag $0x1  }
0x1: {  	s6 =	rddreg [dreg:$0x0]  }
0x2: {  	s2 =	rddreg [dreg:$0x1];
	s0 =	srdreg.scid  }
0x3: {  	s3 =	rddreg [dreg:$0x2];
	s1 =	stileid.u32;
	s4 =	simm.s32 $0x0  }
0x4: {  	s13 =	simm.s32 $0x50;
	s7 =	sand.u32 $0x1, s0;
	s0 =	rddreg [dreg:$0x3]  }
0x5: {  	s14 =	simm.s32 $0x0;
	s8 =	smul.u32 $0x14000, s1;
	[smem:$0x7FF] =	sst s4  }
0x6: {  	s9 =	sshll.u32 s1, $0xB;
	s10 =	smul.u32 $0x50000, s1;
	s31 =	sshll.u32 s1, $0x6  }
0x7: {  	s5 =	smul.u32 $0x140000, s7;
	_ =	strace $0x80000047;
	s28 =	ssub.s32 $0x2, s7  }
0x8: {  	s9 =	sadd.s32 s9, s6;
	s7 =	sshll.u32 s7, $0xF;
	s11 =	sshrl.u32 s28, $0x1  }
0x9: {  	s7 =	sadd.s32 s7, s9;
	s29 =	sshrl.u32 s10, $0x2;
	s9 =	simm.s32 $0x1  }
0xa: {  	s10 =	simm.s32 $0x4000;
	s8 =	sadd.s32 s8, s5;
	s5 =	sadd.s32 $0x1C400, s6  }
0xb: {  	s30 =	ssub.s32 s28, s11;
	s12 =	sadd.s32 s29, s3;
	s8 =	sshrl.u32 s8, $0x3  }
0xc: {  	s11 =	sor.u32 $0x1C01, s31;
	s12 =	sshrl.u32 s12, $0x3;
	s8 =	sadd.s32 s8, s6  }
0xd: {  	s6 =	sadd.s32 $0xC400, s7;
	s7 =	sadd.s32 $0x1EC00, s8;
	s8 =	smax.u32 s30, $0x1  }
.LBB2_1:
0xe: {  	[tilespmem:s4], [sflag:$0x1] =	stream.linear.gather [hbm4b:s6+s4], $0x3E80, $0x38;
	[tilespmem:$0x1A800] =	vst v63  }
0xf: {  	_ =	swait.ge [sflag:s9], $0x3E80  }
0x10: {  	[sflag:s9] =	ssyncset.done $0x0  }
0x11: {  	[sflag:s9] =	ssyncadd.s32 $0xFFFFC180  }
0x12: {  	[tilespmem:s10], [sflag:$0x1] =	stream.linear.gather [hbm4b:s2+s4], $0x2800, $0x38;
	[tilespmem:$0x1A800] =	vst v63  }
0x13: {  	_ =	swait.ge [sflag:s9], $0x2800  }
0x14: {  	[sflag:s9] =	ssyncset.done $0x0  }
0x15: {  	[sflag:s9] =	ssyncadd.s32 $0xFFFFD800  }
0x16: {  	[spmem:s12], [sflag:s11] =	dma.local [hbm:s5], $0x2800  }
0x17: {  	_ =	swait.ge [sflag:s9], $0x2800  }
0x18: {  	[sflag:s9] =	ssyncset.done $0x0  }
0x19: {  	[sflag:s9] =	ssyncadd.s32 $0xFFFFD800  }
0x1a: {  	s15 =	simm.s32 $0x0;
	[bflag:$0x0] =	sbarrier.arrive $0xFFFF  }
0x1b: {  	[spmem:s3] =	stream.indirect.scatter.add.f32 [tilespmem:s10], [sflag:$0x1], $0x80, s15, s13, $0xb8;
	[tilespmem:$0x1A800] =	vst v63  }
0x1c: {  	_ =	swait.ge [sflag:s9], $0x2800  }
0x1d: {  	s15 =	simm.s32 $0x200;
	[sflag:s9] =	ssyncset.done $0x0  }
.LBB2_2:
0x1e: {  	s16 =	sshra.s32 s15, $0x2;
	[sflag:s9] =	ssyncadd.s32 $0xFFFFD800;
	p0 =	sne.s32 s15, $0xF800  }
0x1f: {  	[spmem:s3] =	stream.indirect.scatter.add.f32 [tilespmem:s10], [sflag:$0x1], $0x80, s16, s13, $0xb8;
	[tilespmem:$0x1A800] =	vst v63  }
.Ltmp0:
0x20: {  	_ = 	snop;
	(pc) =	sbr.rel @p0 .LBB2_2-.Ltmp0, $4  }
0x21: {  	_ = 	snop  }
0x22: {  	s15 =	sadd.s32 $0x200, s15  }
0x23: {  	_ =	swait.ge [sflag:s9], $0x2800  }
0x24: {  	[sflag:s9] =	ssyncset.done $0x0  }
0x25: {  	s14 =	sadd.s32 $0x1, s14  }
0x26: {  	[sflag:s9] =	ssyncadd.s32 $0xFFFFD800;
	p0 =	sne.s32 s14, s8  }
.Ltmp1:
0x27: {  	[bflag:$0x0] =	sbarrier.arrive $0xFFFF;
	(pc) =	sbr.rel @p0 .LBB2_1-.Ltmp1, $4  }
0x28: {  	[hbm:s7], [sflag:s11] =	dma.local [spmem:s12], $0x2800  }
0x29: {  	_ =	swait.ge [sflag:s9], $0x2800  }
0x2a: {  	[sflag:s9] =	ssyncset.done $0x0  }
0x2b: {  	[sflag:s9] =	ssyncadd.s32 $0xFFFFD800  }
0x2c: {  	_ =	sfence.sel $0x180000  }
0x2d: {  	[bflag:$0x0] =	sbarrier.arrive $0xFFFF  }
0x2e: {  	p0 =	sne.s32 s1, $0x0;
	_ =	strace $0x90000047  }
0x2f: {  	s0 =	sadd.s32 @!p0 $0x100000, s0;
	[bflag:$0x2] =	sbarrier.arrive $0xFFFF  }
0x30: {  	[sflag:s0] =	ssyncadd.tile.s32 @!p0 $0x1;
	_ =	shalt  }
.Lfunc_end2:
_tile_overlayer_lowered:
.L_overlay_start_2:
0x31: {  	(tag) =	ssettag $0x2  }
0x32: {  	s0 =	rddreg [dreg:$0x0];
	s2 =	stileid.u32  }
0x33: {  	s1 =	rddreg [dreg:$0x1];
	p0 =	sne.s32 s2, $0x0  }
0x34: {  	s3 =	rddreg [dreg:$0x2];
	[bflag:$0x3] =	sbarrier.arrive $0xFFFF;
	s2 =	simm.s32 @!p0 $0x1C01  }
0x35: {  	[timem:s3], [sflag:s2] =	dma.local @!p0 [hbm:s0], s1  }
0x36: {  	s0 =	simm.s32 @!p0 $0x1  }
0x37: {  	_ =	swait.ge @!p0 [sflag:s0], s1  }
0x38: {  	s1 =	ssub.s32 @!p0 $0x0, s1;
	[sflag:s0] =	ssyncset.done @!p0 $0x0  }
0x39: {  	[sflag:s0] =	ssyncadd.s32 @!p0 s1  }
0x3a: {  	[bflag:$0x3] =	sbarrier.arrive $0xFFFF  }
0x3b: {  	_ =	shalt  }

</sc_bundles>
